<compile_context>
chip_gen: v7x
topology: tpu7x:2x2x1
jax: 0.10.2.dev20260603
libtpu: 0.0.44.dev20260713+nightly
codegen_flags: <defaults>
</compile_context>

<pallas_src>
import functools

import jax
import jax.numpy as jnp
from jax import lax
from jax.experimental import pallas as pl
from jax.experimental.pallas import tpu as pltpu
from jax.experimental.pallas import tpu_sc as plsc

B = 16384
C = 1000
K = 200
NC = 2
NS = 16
NW = NC * NS
FULL = K // NW
K_FULL = FULL * NW
HALF = B // 2
N_HALF = (K - K_FULL) * 2

_mesh = plsc.VectorSubcoreMesh(
    core_axis_name="c", subcore_axis_name="s", num_cores=NC, num_subcores=NS
)


@functools.partial(
    pl.kernel,
    out_type=jax.ShapeDtypeStruct((K, B), jnp.float32),
    mesh=_mesh,
    scratch_types=[
        pltpu.VMEM((K + 24,), jnp.int32),
        *[pltpu.VMEM((B,), jnp.float32) for _ in range(FULL)],
        pltpu.VMEM((HALF,), jnp.float32),
        *[pltpu.SemaphoreType.DMA for _ in range(FULL + 1)],
        pltpu.SemaphoreType.DMA,
    ],
    compiler_params=pltpu.CompilerParams(needs_layout_passes=False),
)
def _row_gather(xt_hbm, mask_hbm, out_hbm, mask_v, *bufs_and_sems):
    rows = bufs_and_sems[:FULL]
    half_buf = bufs_and_sems[FULL]
    sem_in = bufs_and_sems[FULL + 1:2 * FULL + 2]
    sem_out = bufs_and_sems[2 * FULL + 2]
    wid = lax.axis_index("s") * NC + lax.axis_index("c")

    pltpu.sync_copy(mask_hbm, mask_v.at[pl.ds(0, K)])
    lane0 = lax.iota(jnp.int32, 16) == 0

    def src_row(j):
        mv = mask_v[pl.ds(j, 16)]
        return jnp.sum(jnp.where(lane0, mv, 0))

    start = wid * FULL
    hw = wid - (NW - N_HALF)
    hj = K_FULL + hw // 2
    hoff = (hw % 2) * HALF

    def g_desc(j, i):
        return pltpu.make_async_copy(xt_hbm.at[src_row(j)], rows[i], sem_in[i])

    def p_desc(j, i):
        return pltpu.make_async_copy(rows[i], out_hbm.at[j], sem_out)

    def gh_desc():
        return pltpu.make_async_copy(
            xt_hbm.at[src_row(hj), pl.ds(hoff, HALF)], half_buf, sem_in[FULL]
        )

    def ph_desc():
        return pltpu.make_async_copy(
            half_buf, out_hbm.at[hj, pl.ds(hoff, HALF)], sem_out
        )

    @pl.when(hw >= 0)
    def _():
        gh_desc().start()
    for i in range(FULL):
        g_desc(start + i, i).start()

    for i in range(FULL):
        g_desc(start + i, i).wait()
        p_desc(start + i, i).start()

    @pl.when(hw >= 0)
    def _():
        gh_desc().wait()
        ph_desc().start()

    for i in range(FULL):
        p_desc(start + i, i).wait()

    @pl.when(hw >= 0)
    def _():
        ph_desc().wait()


def kernel(x, mask):
    return _row_gather(x.T, mask).T

# --- scband reference (transcript-rebuilt; emitter-appended) ---
"""Pipeline reference for scband-image-net-xmasking-layer-85779086835878 (READ-ONLY COPY).

The authoritative reference and input builder live on the scoring server;
editing this copy changes nothing except your own understanding.
"""

import jax, jax.numpy as jnp
import numpy as np

BATCH = 16384
NUM_CLASSES = 1000
MASK = np.arange(0, 1000, 5, dtype=np.int32)  # 200 masked-in class indices (init kwarg)


def setup_inputs(seed: int = 0) -> dict:
    key = jax.random.key(seed)
    x = jax.random.normal(key, (BATCH, NUM_CLASSES), dtype=jnp.float32)
    mask = jnp.asarray(MASK, dtype=jnp.int32)
    return {"x": x, "mask": mask}


def reference(x, mask):
    # x[:, self.mask] -> gather of selected class columns
    return jnp.take(x, mask, axis=1)

if __name__ == "__main__":
    import jax
    _d = setup_inputs()
    print(jax.jit(kernel)(*tuple(_d.values())))

</pallas_src>

<mosaic_0001>
#map = affine_map<(d0, d1) -> (0, 0)>
#map1 = affine_map<(d0, d1) -> (0)>
module attributes {stable_mosaic.version = 14 : i64} {
  func.func @_row_gather(%arg0: i32, %arg1: i32, %arg2: memref<1000x16384xf32, #tpu.memory_space<hbm>>, %arg3: memref<200xi32, #tpu.memory_space<hbm>>, %arg4: memref<200x16384xf32, #tpu.memory_space<hbm>>, %arg5: memref<224xi32, #tpu.memory_space<vmem>>, %arg6: memref<16384xf32, #tpu.memory_space<vmem>>, %arg7: memref<16384xf32, #tpu.memory_space<vmem>>, %arg8: memref<16384xf32, #tpu.memory_space<vmem>>, %arg9: memref<16384xf32, #tpu.memory_space<vmem>>, %arg10: memref<16384xf32, #tpu.memory_space<vmem>>, %arg11: memref<16384xf32, #tpu.memory_space<vmem>>, %arg12: memref<8192xf32, #tpu.memory_space<vmem>>, %arg13: memref<!tpu.dma_semaphore, #tpu.memory_space<semaphore_mem>>, %arg14: memref<!tpu.dma_semaphore, #tpu.memory_space<semaphore_mem>>, %arg15: memref<!tpu.dma_semaphore, #tpu.memory_space<semaphore_mem>>, %arg16: memref<!tpu.dma_semaphore, #tpu.memory_space<semaphore_mem>>, %arg17: memref<!tpu.dma_semaphore, #tpu.memory_space<semaphore_mem>>, %arg18: memref<!tpu.dma_semaphore, #tpu.memory_space<semaphore_mem>>, %arg19: memref<!tpu.dma_semaphore, #tpu.memory_space<semaphore_mem>>, %arg20: memref<!tpu.dma_semaphore, #tpu.memory_space<semaphore_mem>>) attributes {dimension_semantics = [#tpu.dimension_semantics<core_parallel>, #tpu.dimension_semantics<subcore_parallel>], iteration_bounds = array<i64: 2, 16>, scalar_prefetch = 0 : i64, scratch_operands = 16 : i64, tpu.core_type = #tpu.core_type<sc_vector_subcore>, window_params = [{transform_indices = #map}, {transform_indices = #map1}, {transform_indices = #map}]} {
    %mul3A = arith.constant 2 : i32
    %mul3A_0 = arith.muli %arg1, %mul3A : i32
    %add3A = arith.addi %mul3A_0, %arg0 : i32
    "tpu.region"() ({
      %run_scoped3A = tpu.sem_alloc : memref<!tpu.dma_semaphore, #tpu.memory_space<semaphore_mem>>
      %dma_start3A_349 = arith.constant 0 : i32
      %dma_start3A_350 = tpu.memref_slice %arg5[%dma_start3A_349] : memref<224xi32, #tpu.memory_space<vmem>> -> memref<200xi32, #tpu.memory_space<vmem>>
      %dma_start3A_351 = arith.constant 0 : i32
      %dma_start3A_352 = tpu.memref_slice %arg5[%dma_start3A_351] : memref<224xi32, #tpu.memory_space<vmem>> -> memref<200xi32, #tpu.memory_space<vmem>>
      tpu.enqueue_dma source(%arg3 : memref<200xi32, #tpu.memory_space<hbm>>) target(%dma_start3A_352 : memref<200xi32, #tpu.memory_space<vmem>>) target_semaphore(%run_scoped3A : memref<!tpu.dma_semaphore, #tpu.memory_space<semaphore_mem>>)
      %dma_wait3A_353 = arith.constant 0 : i32
      %dma_wait3A_354 = tpu.memref_slice %arg5[%dma_wait3A_353] : memref<224xi32, #tpu.memory_space<vmem>> -> memref<200xi32, #tpu.memory_space<vmem>>
      %dma_wait3A_355 = arith.constant 0 : i32
      %dma_wait3A_356 = tpu.memref_slice %arg5[%dma_wait3A_355] : memref<224xi32, #tpu.memory_space<vmem>> -> memref<200xi32, #tpu.memory_space<vmem>>
      tpu.wait_dma2 semaphore(%run_scoped3A : memref<!tpu.dma_semaphore, #tpu.memory_space<semaphore_mem>>) src(%arg3 : memref<200xi32, #tpu.memory_space<hbm>>) dst(%dma_wait3A_356 : memref<200xi32, #tpu.memory_space<vmem>>)
      tpu.yield
    }) : () -> ()
    %iota3A = tpu.iota {dimensions = array<i32: 0>} : vector<16xi32>
    %eq3A = arith.constant 0 : i32
    %eq3A_1 = vector.broadcast %eq3A : i32 to vector<16xi32>
    %eq3A_2 = arith.cmpi eq, %iota3A, %eq3A_1 : vector<16xi32>
    %mul3A_3 = arith.constant 6 : i32
    %mul3A_4 = arith.muli %add3A, %mul3A_3 : i32
    %sub3A = arith.constant 16 : i32
    %sub3A_5 = arith.subi %add3A, %sub3A : i32
    %jit3A = arith.constant 2 : i32
    %div3A = arith.divsi %sub3A_5, %jit3A : i32
    %sign3A = arith.constant 0 : i32
    %sign3A_6 = arith.cmpi sgt, %sub3A_5, %sign3A : i32
    %sign3A_7 = arith.extui %sign3A_6 : i1 to i32
    %sign3A_8 = arith.constant 0 : i32
    %sign3A_9 = arith.cmpi slt, %sub3A_5, %sign3A_8 : i32
    %sign3A_10 = arith.extui %sign3A_9 : i1 to i32
    %sign3A_11 = arith.subi %sign3A_7, %sign3A_10 : i32
    %sign3A_12 = arith.constant 0 : i32
    %sign3A_13 = arith.cmpi sgt, %jit3A, %sign3A_12 : i32
    %sign3A_14 = arith.extui %sign3A_13 : i1 to i32
    %sign3A_15 = arith.constant 0 : i32
    %sign3A_16 = arith.cmpi slt, %jit3A, %sign3A_15 : i32
    %sign3A_17 = arith.extui %sign3A_16 : i1 to i32
    %sign3A_18 = arith.subi %sign3A_14, %sign3A_17 : i32
    %ne3A = arith.cmpi ne, %sign3A_11, %sign3A_18 : i32
    %rem3A = arith.remsi %sub3A_5, %jit3A : i32
    %ne3A_19 = arith.constant 0 : i32
    %ne3A_20 = arith.cmpi ne, %rem3A, %ne3A_19 : i32
    %and3A = arith.andi %ne3A, %ne3A_20 : i1
    %sub3A_21 = arith.constant 1 : i32
    %sub3A_22 = arith.subi %div3A, %sub3A_21 : i32
    %select_n3A = arith.select %and3A, %sub3A_22, %div3A : i32
    %add3A_23 = arith.constant 192 : i32
    %add3A_24 = arith.addi %add3A_23, %select_n3A : i32
    %jit3A_25 = arith.constant 2 : i32
    %eq3A_26 = arith.constant 0 : i32
    %eq3A_27 = arith.cmpi eq, %jit3A_25, %eq3A_26 : i32
    %jit3A_28 = arith.constant 1 : i32
    %select_n3A_29 = arith.select %eq3A_27, %jit3A_28, %jit3A_25 : i32
    %rem3A_30 = arith.remsi %sub3A_5, %select_n3A_29 : i32
    %ne3A_31 = arith.constant 0 : i32
    %ne3A_32 = arith.cmpi ne, %rem3A_30, %ne3A_31 : i32
    %lt3A = arith.constant 0 : i32
    %lt3A_33 = arith.cmpi slt, %rem3A_30, %lt3A : i32
    %lt3A_34 = arith.constant 0 : i32
    %lt3A_35 = arith.cmpi slt, %select_n3A_29, %lt3A_34 : i32
    %ne3A_36 = arith.xori %lt3A_33, %lt3A_35 : i1
    %and3A_37 = arith.andi %ne3A_36, %ne3A_32 : i1
    %add3A_38 = arith.addi %rem3A_30, %select_n3A_29 : i32
    %select_n3A_39 = arith.select %and3A_37, %add3A_38, %rem3A_30 : i32
    %mul3A_40 = arith.constant 8192 : i32
    %mul3A_41 = arith.muli %select_n3A_39, %mul3A_40 : i32
    %ge3A = arith.constant 0 : i32
    %ge3A_42 = arith.cmpi sge, %sub3A_5, %ge3A : i32
    %convert_element_type3A = arith.extui %ge3A_42 : i1 to i32
    %cond3A = arith.constant 0 : i32
    %cond3A_43 = arith.cmpi ne, %convert_element_type3A, %cond3A : i32
    scf.if %cond3A_43 {
      %get3A_349 = arith.index_cast %add3A_24 : i32 to index
      %get3A_350 = tpu.vector_load %arg5[%get3A_349] {strides = array<i32>} : memref<224xi32, #tpu.memory_space<vmem>>, vector<16xi32>,
      %jit3A_351 = arith.constant 0 : i32
      %broadcast_in_dim3A_352 = vector.broadcast %jit3A_351 : i32 to vector<16xi32>
      %select_n3A_353 = arith.select %eq3A_2, %get3A_350, %broadcast_in_dim3A_352 : vector<16xi1>, vector<16xi32>
      %reduce_sum3A_354 = arith.constant true
      %reduce_sum3A_355 = vector.broadcast %reduce_sum3A_354 : i1 to vector<16xi1>
      %reduce_sum3A_356 = tpu.scan <sum>, %select_n3A_353 masked %reduce_sum3A_355 : vector<16xi32>, vector<16xi1> -> vector<16xi32>
      %reduce_sum3A_357 = vector.extract %reduce_sum3A_356[15] : i32 from vector<16xi32>
      %dma_start3A_358 = tpu.memref_slice %arg2[%reduce_sum3A_357, %mul3A_41] : memref<1000x16384xf32, #tpu.memory_space<hbm>> -> memref<1x8192xf32, #tpu.memory_space<hbm>>
      %dma_start3A_359 = tpu.memref_squeeze %dma_start3A_358 : memref<1x8192xf32, #tpu.memory_space<hbm>> -> memref<8192xf32, #tpu.memory_space<hbm>>
      %dma_start3A_360 = tpu.memref_slice %arg2[%reduce_sum3A_357, %mul3A_41] : memref<1000x16384xf32, #tpu.memory_space<hbm>> -> memref<1x8192xf32, #tpu.memory_space<hbm>>
      %dma_start3A_361 = tpu.memref_squeeze %dma_start3A_360 : memref<1x8192xf32, #tpu.memory_space<hbm>> -> memref<8192xf32, #tpu.memory_space<hbm>>
      tpu.enqueue_dma source(%dma_start3A_361 : memref<8192xf32, #tpu.memory_space<hbm>>) target(%arg12 : memref<8192xf32, #tpu.memory_space<vmem>>) target_semaphore(%arg19 : memref<!tpu.dma_semaphore, #tpu.memory_space<semaphore_mem>>)
    } else {
    }
    %add3A_44 = arith.constant 0 : i32
    %add3A_45 = arith.addi %mul3A_4, %add3A_44 : i32
    %get3A = arith.index_cast %add3A_45 : i32 to index
    %get3A_46 = tpu.vector_load %arg5[%get3A] {strides = array<i32>} : memref<224xi32, #tpu.memory_space<vmem>>, vector<16xi32>,
    %jit3A_47 = arith.constant 0 : i32
    %broadcast_in_dim3A = vector.broadcast %jit3A_47 : i32 to vector<16xi32>
    %select_n3A_48 = arith.select %eq3A_2, %get3A_46, %broadcast_in_dim3A : vector<16xi1>, vector<16xi32>
    %reduce_sum3A = arith.constant true
    %reduce_sum3A_49 = vector.broadcast %reduce_sum3A : i1 to vector<16xi1>
    %reduce_sum3A_50 = tpu.scan <sum>, %select_n3A_48 masked %reduce_sum3A_49 : vector<16xi32>, vector<16xi1> -> vector<16xi32>
    %reduce_sum3A_51 = vector.extract %reduce_sum3A_50[15] : i32 from vector<16xi32>
    %dma_start3A = arith.constant 0 : i32
    %dma_start3A_52 = tpu.memref_slice %arg2[%reduce_sum3A_51, %dma_start3A] : memref<1000x16384xf32, #tpu.memory_space<hbm>> -> memref<1x16384xf32, #tpu.memory_space<hbm>>
    %dma_start3A_53 = tpu.memref_squeeze %dma_start3A_52 : memref<1x16384xf32, #tpu.memory_space<hbm>> -> memref<16384xf32, #tpu.memory_space<hbm>>
    %dma_start3A_54 = arith.constant 0 : i32
    %dma_start3A_55 = tpu.memref_slice %arg2[%reduce_sum3A_51, %dma_start3A_54] : memref<1000x16384xf32, #tpu.memory_space<hbm>> -> memref<1x16384xf32, #tpu.memory_space<hbm>>
    %dma_start3A_56 = tpu.memref_squeeze %dma_start3A_55 : memref<1x16384xf32, #tpu.memory_space<hbm>> -> memref<16384xf32, #tpu.memory_space<hbm>>
    tpu.enqueue_dma source(%dma_start3A_56 : memref<16384xf32, #tpu.memory_space<hbm>>) target(%arg6 : memref<16384xf32, #tpu.memory_space<vmem>>) target_semaphore(%arg13 : memref<!tpu.dma_semaphore, #tpu.memory_space<semaphore_mem>>)
    %add3A_57 = arith.constant 1 : i32
    %add3A_58 = arith.addi %mul3A_4, %add3A_57 : i32
    %get3A_59 = arith.index_cast %add3A_58 : i32 to index
    %get3A_60 = tpu.vector_load %arg5[%get3A_59] {strides = array<i32>} : memref<224xi32, #tpu.memory_space<vmem>>, vector<16xi32>,
    %jit3A_61 = arith.constant 0 : i32
    %broadcast_in_dim3A_62 = vector.broadcast %jit3A_61 : i32 to vector<16xi32>
    %select_n3A_63 = arith.select %eq3A_2, %get3A_60, %broadcast_in_dim3A_62 : vector<16xi1>, vector<16xi32>
    %reduce_sum3A_64 = arith.constant true
    %reduce_sum3A_65 = vector.broadcast %reduce_sum3A_64 : i1 to vector<16xi1>
    %reduce_sum3A_66 = tpu.scan <sum>, %select_n3A_63 masked %reduce_sum3A_65 : vector<16xi32>, vector<16xi1> -> vector<16xi32>
    %reduce_sum3A_67 = vector.extract %reduce_sum3A_66[15] : i32 from vector<16xi32>
    %dma_start3A_68 = arith.constant 0 : i32
    %dma_start3A_69 = tpu.memref_slice %arg2[%reduce_sum3A_67, %dma_start3A_68] : memref<1000x16384xf32, #tpu.memory_space<hbm>> -> memref<1x16384xf32, #tpu.memory_space<hbm>>
    %dma_start3A_70 = tpu.memref_squeeze %dma_start3A_69 : memref<1x16384xf32, #tpu.memory_space<hbm>> -> memref<16384xf32, #tpu.memory_space<hbm>>
    %dma_start3A_71 = arith.constant 0 : i32
    %dma_start3A_72 = tpu.memref_slice %arg2[%reduce_sum3A_67, %dma_start3A_71] : memref<1000x16384xf32, #tpu.memory_space<hbm>> -> memref<1x16384xf32, #tpu.memory_space<hbm>>
    %dma_start3A_73 = tpu.memref_squeeze %dma_start3A_72 : memref<1x16384xf32, #tpu.memory_space<hbm>> -> memref<16384xf32, #tpu.memory_space<hbm>>
    tpu.enqueue_dma source(%dma_start3A_73 : memref<16384xf32, #tpu.memory_space<hbm>>) target(%arg7 : memref<16384xf32, #tpu.memory_space<vmem>>) target_semaphore(%arg14 : memref<!tpu.dma_semaphore, #tpu.memory_space<semaphore_mem>>)
    %add3A_74 = arith.constant 2 : i32
    %add3A_75 = arith.addi %mul3A_4, %add3A_74 : i32
    %get3A_76 = arith.index_cast %add3A_75 : i32 to index
    %get3A_77 = tpu.vector_load %arg5[%get3A_76] {strides = array<i32>} : memref<224xi32, #tpu.memory_space<vmem>>, vector<16xi32>,
    %jit3A_78 = arith.constant 0 : i32
    %broadcast_in_dim3A_79 = vector.broadcast %jit3A_78 : i32 to vector<16xi32>
    %select_n3A_80 = arith.select %eq3A_2, %get3A_77, %broadcast_in_dim3A_79 : vector<16xi1>, vector<16xi32>
    %reduce_sum3A_81 = arith.constant true
    %reduce_sum3A_82 = vector.broadcast %reduce_sum3A_81 : i1 to vector<16xi1>
    %reduce_sum3A_83 = tpu.scan <sum>, %select_n3A_80 masked %reduce_sum3A_82 : vector<16xi32>, vector<16xi1> -> vector<16xi32>
    %reduce_sum3A_84 = vector.extract %reduce_sum3A_83[15] : i32 from vector<16xi32>
    %dma_start3A_85 = arith.constant 0 : i32
    %dma_start3A_86 = tpu.memref_slice %arg2[%reduce_sum3A_84, %dma_start3A_85] : memref<1000x16384xf32, #tpu.memory_space<hbm>> -> memref<1x16384xf32, #tpu.memory_space<hbm>>
    %dma_start3A_87 = tpu.memref_squeeze %dma_start3A_86 : memref<1x16384xf32, #tpu.memory_space<hbm>> -> memref<16384xf32, #tpu.memory_space<hbm>>
    %dma_start3A_88 = arith.constant 0 : i32
    %dma_start3A_89 = tpu.memref_slice %arg2[%reduce_sum3A_84, %dma_start3A_88] : memref<1000x16384xf32, #tpu.memory_space<hbm>> -> memref<1x16384xf32, #tpu.memory_space<hbm>>
    %dma_start3A_90 = tpu.memref_squeeze %dma_start3A_89 : memref<1x16384xf32, #tpu.memory_space<hbm>> -> memref<16384xf32, #tpu.memory_space<hbm>>
    tpu.enqueue_dma source(%dma_start3A_90 : memref<16384xf32, #tpu.memory_space<hbm>>) target(%arg8 : memref<16384xf32, #tpu.memory_space<vmem>>) target_semaphore(%arg15 : memref<!tpu.dma_semaphore, #tpu.memory_space<semaphore_mem>>)
    %add3A_91 = arith.constant 3 : i32
    %add3A_92 = arith.addi %mul3A_4, %add3A_91 : i32
    %get3A_93 = arith.index_cast %add3A_92 : i32 to index
    %get3A_94 = tpu.vector_load %arg5[%get3A_93] {strides = array<i32>} : memref<224xi32, #tpu.memory_space<vmem>>, vector<16xi32>,
    %jit3A_95 = arith.constant 0 : i32
    %broadcast_in_dim3A_96 = vector.broadcast %jit3A_95 : i32 to vector<16xi32>
    %select_n3A_97 = arith.select %eq3A_2, %get3A_94, %broadcast_in_dim3A_96 : vector<16xi1>, vector<16xi32>
    %reduce_sum3A_98 = arith.constant true
    %reduce_sum3A_99 = vector.broadcast %reduce_sum3A_98 : i1 to vector<16xi1>
    %reduce_sum3A_100 = tpu.scan <sum>, %select_n3A_97 masked %reduce_sum3A_99 : vector<16xi32>, vector<16xi1> -> vector<16xi32>
    %reduce_sum3A_101 = vector.extract %reduce_sum3A_100[15] : i32 from vector<16xi32>
    %dma_start3A_102 = arith.constant 0 : i32
    %dma_start3A_103 = tpu.memref_slice %arg2[%reduce_sum3A_101, %dma_start3A_102] : memref<1000x16384xf32, #tpu.memory_space<hbm>> -> memref<1x16384xf32, #tpu.memory_space<hbm>>
    %dma_start3A_104 = tpu.memref_squeeze %dma_start3A_103 : memref<1x16384xf32, #tpu.memory_space<hbm>> -> memref<16384xf32, #tpu.memory_space<hbm>>
    %dma_start3A_105 = arith.constant 0 : i32
    %dma_start3A_106 = tpu.memref_slice %arg2[%reduce_sum3A_101, %dma_start3A_105] : memref<1000x16384xf32, #tpu.memory_space<hbm>> -> memref<1x16384xf32, #tpu.memory_space<hbm>>
    %dma_start3A_107 = tpu.memref_squeeze %dma_start3A_106 : memref<1x16384xf32, #tpu.memory_space<hbm>> -> memref<16384xf32, #tpu.memory_space<hbm>>
    tpu.enqueue_dma source(%dma_start3A_107 : memref<16384xf32, #tpu.memory_space<hbm>>) target(%arg9 : memref<16384xf32, #tpu.memory_space<vmem>>) target_semaphore(%arg16 : memref<!tpu.dma_semaphore, #tpu.memory_space<semaphore_mem>>)
    %add3A_108 = arith.constant 4 : i32
    %add3A_109 = arith.addi %mul3A_4, %add3A_108 : i32
    %get3A_110 = arith.index_cast %add3A_109 : i32 to index
    %get3A_111 = tpu.vector_load %arg5[%get3A_110] {strides = array<i32>} : memref<224xi32, #tpu.memory_space<vmem>>, vector<16xi32>,
    %jit3A_112 = arith.constant 0 : i32
    %broadcast_in_dim3A_113 = vector.broadcast %jit3A_112 : i32 to vector<16xi32>
    %select_n3A_114 = arith.select %eq3A_2, %get3A_111, %broadcast_in_dim3A_113 : vector<16xi1>, vector<16xi32>
    %reduce_sum3A_115 = arith.constant true
    %reduce_sum3A_116 = vector.broadcast %reduce_sum3A_115 : i1 to vector<16xi1>
    %reduce_sum3A_117 = tpu.scan <sum>, %select_n3A_114 masked %reduce_sum3A_116 : vector<16xi32>, vector<16xi1> -> vector<16xi32>
    %reduce_sum3A_118 = vector.extract %reduce_sum3A_117[15] : i32 from vector<16xi32>
    %dma_start3A_119 = arith.constant 0 : i32
    %dma_start3A_120 = tpu.memref_slice %arg2[%reduce_sum3A_118, %dma_start3A_119] : memref<1000x16384xf32, #tpu.memory_space<hbm>> -> memref<1x16384xf32, #tpu.memory_space<hbm>>
    %dma_start3A_121 = tpu.memref_squeeze %dma_start3A_120 : memref<1x16384xf32, #tpu.memory_space<hbm>> -> memref<16384xf32, #tpu.memory_space<hbm>>
    %dma_start3A_122 = arith.constant 0 : i32
    %dma_start3A_123 = tpu.memref_slice %arg2[%reduce_sum3A_118, %dma_start3A_122] : memref<1000x16384xf32, #tpu.memory_space<hbm>> -> memref<1x16384xf32, #tpu.memory_space<hbm>>
    %dma_start3A_124 = tpu.memref_squeeze %dma_start3A_123 : memref<1x16384xf32, #tpu.memory_space<hbm>> -> memref<16384xf32, #tpu.memory_space<hbm>>
    tpu.enqueue_dma source(%dma_start3A_124 : memref<16384xf32, #tpu.memory_space<hbm>>) target(%arg10 : memref<16384xf32, #tpu.memory_space<vmem>>) target_semaphore(%arg17 : memref<!tpu.dma_semaphore, #tpu.memory_space<semaphore_mem>>)
    %add3A_125 = arith.constant 5 : i32
    %add3A_126 = arith.addi %mul3A_4, %add3A_125 : i32
    %get3A_127 = arith.index_cast %add3A_126 : i32 to index
    %get3A_128 = tpu.vector_load %arg5[%get3A_127] {strides = array<i32>} : memref<224xi32, #tpu.memory_space<vmem>>, vector<16xi32>,
    %jit3A_129 = arith.constant 0 : i32
    %broadcast_in_dim3A_130 = vector.broadcast %jit3A_129 : i32 to vector<16xi32>
    %select_n3A_131 = arith.select %eq3A_2, %get3A_128, %broadcast_in_dim3A_130 : vector<16xi1>, vector<16xi32>
    %reduce_sum3A_132 = arith.constant true
    %reduce_sum3A_133 = vector.broadcast %reduce_sum3A_132 : i1 to vector<16xi1>
    %reduce_sum3A_134 = tpu.scan <sum>, %select_n3A_131 masked %reduce_sum3A_133 : vector<16xi32>, vector<16xi1> -> vector<16xi32>
    %reduce_sum3A_135 = vector.extract %reduce_sum3A_134[15] : i32 from vector<16xi32>
    %dma_start3A_136 = arith.constant 0 : i32
    %dma_start3A_137 = tpu.memref_slice %arg2[%reduce_sum3A_135, %dma_start3A_136] : memref<1000x16384xf32, #tpu.memory_space<hbm>> -> memref<1x16384xf32, #tpu.memory_space<hbm>>
    %dma_start3A_138 = tpu.memref_squeeze %dma_start3A_137 : memref<1x16384xf32, #tpu.memory_space<hbm>> -> memref<16384xf32, #tpu.memory_space<hbm>>
    %dma_start3A_139 = arith.constant 0 : i32
    %dma_start3A_140 = tpu.memref_slice %arg2[%reduce_sum3A_135, %dma_start3A_139] : memref<1000x16384xf32, #tpu.memory_space<hbm>> -> memref<1x16384xf32, #tpu.memory_space<hbm>>
    %dma_start3A_141 = tpu.memref_squeeze %dma_start3A_140 : memref<1x16384xf32, #tpu.memory_space<hbm>> -> memref<16384xf32, #tpu.memory_space<hbm>>
    tpu.enqueue_dma source(%dma_start3A_141 : memref<16384xf32, #tpu.memory_space<hbm>>) target(%arg11 : memref<16384xf32, #tpu.memory_space<vmem>>) target_semaphore(%arg18 : memref<!tpu.dma_semaphore, #tpu.memory_space<semaphore_mem>>)
    %add3A_142 = arith.constant 0 : i32
    %add3A_143 = arith.addi %mul3A_4, %add3A_142 : i32
    %get3A_144 = arith.index_cast %add3A_143 : i32 to index
    %get3A_145 = tpu.vector_load %arg5[%get3A_144] {strides = array<i32>} : memref<224xi32, #tpu.memory_space<vmem>>, vector<16xi32>,
    %jit3A_146 = arith.constant 0 : i32
    %broadcast_in_dim3A_147 = vector.broadcast %jit3A_146 : i32 to vector<16xi32>
    %select_n3A_148 = arith.select %eq3A_2, %get3A_145, %broadcast_in_dim3A_147 : vector<16xi1>, vector<16xi32>
    %reduce_sum3A_149 = arith.constant true
    %reduce_sum3A_150 = vector.broadcast %reduce_sum3A_149 : i1 to vector<16xi1>
    %reduce_sum3A_151 = tpu.scan <sum>, %select_n3A_148 masked %reduce_sum3A_150 : vector<16xi32>, vector<16xi1> -> vector<16xi32>
    %reduce_sum3A_152 = vector.extract %reduce_sum3A_151[15] : i32 from vector<16xi32>
    %dma_wait3A = arith.constant 0 : i32
    %dma_wait3A_153 = tpu.memref_slice %arg2[%reduce_sum3A_152, %dma_wait3A] : memref<1000x16384xf32, #tpu.memory_space<hbm>> -> memref<1x16384xf32, #tpu.memory_space<hbm>>
    %dma_wait3A_154 = tpu.memref_squeeze %dma_wait3A_153 : memref<1x16384xf32, #tpu.memory_space<hbm>> -> memref<16384xf32, #tpu.memory_space<hbm>>
    %dma_wait3A_155 = arith.constant 0 : i32
    %dma_wait3A_156 = tpu.memref_slice %arg2[%reduce_sum3A_152, %dma_wait3A_155] : memref<1000x16384xf32, #tpu.memory_space<hbm>> -> memref<1x16384xf32, #tpu.memory_space<hbm>>
    %dma_wait3A_157 = tpu.memref_squeeze %dma_wait3A_156 : memref<1x16384xf32, #tpu.memory_space<hbm>> -> memref<16384xf32, #tpu.memory_space<hbm>>
    tpu.wait_dma2 semaphore(%arg13 : memref<!tpu.dma_semaphore, #tpu.memory_space<semaphore_mem>>) src(%dma_wait3A_157 : memref<16384xf32, #tpu.memory_space<hbm>>) dst(%arg6 : memref<16384xf32, #tpu.memory_space<vmem>>)
    %add3A_158 = arith.constant 0 : i32
    %add3A_159 = arith.addi %mul3A_4, %add3A_158 : i32
    %dma_start3A_160 = arith.constant 0 : i32
    %dma_start3A_161 = tpu.memref_slice %arg4[%add3A_159, %dma_start3A_160] : memref<200x16384xf32, #tpu.memory_space<hbm>> -> memref<1x16384xf32, #tpu.memory_space<hbm>>
    %dma_start3A_162 = tpu.memref_squeeze %dma_start3A_161 : memref<1x16384xf32, #tpu.memory_space<hbm>> -> memref<16384xf32, #tpu.memory_space<hbm>>
    %dma_start3A_163 = arith.constant 0 : i32
    %dma_start3A_164 = tpu.memref_slice %arg4[%add3A_159, %dma_start3A_163] : memref<200x16384xf32, #tpu.memory_space<hbm>> -> memref<1x16384xf32, #tpu.memory_space<hbm>>
    %dma_start3A_165 = tpu.memref_squeeze %dma_start3A_164 : memref<1x16384xf32, #tpu.memory_space<hbm>> -> memref<16384xf32, #tpu.memory_space<hbm>>
    tpu.enqueue_dma source(%arg6 : memref<16384xf32, #tpu.memory_space<vmem>>) target(%dma_start3A_165 : memref<16384xf32, #tpu.memory_space<hbm>>) target_semaphore(%arg20 : memref<!tpu.dma_semaphore, #tpu.memory_space<semaphore_mem>>)
    %add3A_166 = arith.constant 1 : i32
    %add3A_167 = arith.addi %mul3A_4, %add3A_166 : i32
    %get3A_168 = arith.index_cast %add3A_167 : i32 to index
    %get3A_169 = tpu.vector_load %arg5[%get3A_168] {strides = array<i32>} : memref<224xi32, #tpu.memory_space<vmem>>, vector<16xi32>,
    %jit3A_170 = arith.constant 0 : i32
    %broadcast_in_dim3A_171 = vector.broadcast %jit3A_170 : i32 to vector<16xi32>
    %select_n3A_172 = arith.select %eq3A_2, %get3A_169, %broadcast_in_dim3A_171 : vector<16xi1>, vector<16xi32>
    %reduce_sum3A_173 = arith.constant true
    %reduce_sum3A_174 = vector.broadcast %reduce_sum3A_173 : i1 to vector<16xi1>
    %reduce_sum3A_175 = tpu.scan <sum>, %select_n3A_172 masked %reduce_sum3A_174 : vector<16xi32>, vector<16xi1> -> vector<16xi32>
    %reduce_sum3A_176 = vector.extract %reduce_sum3A_175[15] : i32 from vector<16xi32>
    %dma_wait3A_177 = arith.constant 0 : i32
    %dma_wait3A_178 = tpu.memref_slice %arg2[%reduce_sum3A_176, %dma_wait3A_177] : memref<1000x16384xf32, #tpu.memory_space<hbm>> -> memref<1x16384xf32, #tpu.memory_space<hbm>>
    %dma_wait3A_179 = tpu.memref_squeeze %dma_wait3A_178 : memref<1x16384xf32, #tpu.memory_space<hbm>> -> memref<16384xf32, #tpu.memory_space<hbm>>
    %dma_wait3A_180 = arith.constant 0 : i32
    %dma_wait3A_181 = tpu.memref_slice %arg2[%reduce_sum3A_176, %dma_wait3A_180] : memref<1000x16384xf32, #tpu.memory_space<hbm>> -> memref<1x16384xf32, #tpu.memory_space<hbm>>
    %dma_wait3A_182 = tpu.memref_squeeze %dma_wait3A_181 : memref<1x16384xf32, #tpu.memory_space<hbm>> -> memref<16384xf32, #tpu.memory_space<hbm>>
    tpu.wait_dma2 semaphore(%arg14 : memref<!tpu.dma_semaphore, #tpu.memory_space<semaphore_mem>>) src(%dma_wait3A_182 : memref<16384xf32, #tpu.memory_space<hbm>>) dst(%arg7 : memref<16384xf32, #tpu.memory_space<vmem>>)
    %add3A_183 = arith.constant 1 : i32
    %add3A_184 = arith.addi %mul3A_4, %add3A_183 : i32
    %dma_start3A_185 = arith.constant 0 : i32
    %dma_start3A_186 = tpu.memref_slice %arg4[%add3A_184, %dma_start3A_185] : memref<200x16384xf32, #tpu.memory_space<hbm>> -> memref<1x16384xf32, #tpu.memory_space<hbm>>
    %dma_start3A_187 = tpu.memref_squeeze %dma_start3A_186 : memref<1x16384xf32, #tpu.memory_space<hbm>> -> memref<16384xf32, #tpu.memory_space<hbm>>
    %dma_start3A_188 = arith.constant 0 : i32
    %dma_start3A_189 = tpu.memref_slice %arg4[%add3A_184, %dma_start3A_188] : memref<200x16384xf32, #tpu.memory_space<hbm>> -> memref<1x16384xf32, #tpu.memory_space<hbm>>
    %dma_start3A_190 = tpu.memref_squeeze %dma_start3A_189 : memref<1x16384xf32, #tpu.memory_space<hbm>> -> memref<16384xf32, #tpu.memory_space<hbm>>
    tpu.enqueue_dma source(%arg7 : memref<16384xf32, #tpu.memory_space<vmem>>) target(%dma_start3A_190 : memref<16384xf32, #tpu.memory_space<hbm>>) target_semaphore(%arg20 : memref<!tpu.dma_semaphore, #tpu.memory_space<semaphore_mem>>)
    %add3A_191 = arith.constant 2 : i32
    %add3A_192 = arith.addi %mul3A_4, %add3A_191 : i32
    %get3A_193 = arith.index_cast %add3A_192 : i32 to index
    %get3A_194 = tpu.vector_load %arg5[%get3A_193] {strides = array<i32>} : memref<224xi32, #tpu.memory_space<vmem>>, vector<16xi32>,
    %jit3A_195 = arith.constant 0 : i32
    %broadcast_in_dim3A_196 = vector.broadcast %jit3A_195 : i32 to vector<16xi32>
    %select_n3A_197 = arith.select %eq3A_2, %get3A_194, %broadcast_in_dim3A_196 : vector<16xi1>, vector<16xi32>
    %reduce_sum3A_198 = arith.constant true
    %reduce_sum3A_199 = vector.broadcast %reduce_sum3A_198 : i1 to vector<16xi1>
    %reduce_sum3A_200 = tpu.scan <sum>, %select_n3A_197 masked %reduce_sum3A_199 : vector<16xi32>, vector<16xi1> -> vector<16xi32>
    %reduce_sum3A_201 = vector.extract %reduce_sum3A_200[15] : i32 from vector<16xi32>
    %dma_wait3A_202 = arith.constant 0 : i32
    %dma_wait3A_203 = tpu.memref_slice %arg2[%reduce_sum3A_201, %dma_wait3A_202] : memref<1000x16384xf32, #tpu.memory_space<hbm>> -> memref<1x16384xf32, #tpu.memory_space<hbm>>
    %dma_wait3A_204 = tpu.memref_squeeze %dma_wait3A_203 : memref<1x16384xf32, #tpu.memory_space<hbm>> -> memref<16384xf32, #tpu.memory_space<hbm>>
    %dma_wait3A_205 = arith.constant 0 : i32
    %dma_wait3A_206 = tpu.memref_slice %arg2[%reduce_sum3A_201, %dma_wait3A_205] : memref<1000x16384xf32, #tpu.memory_space<hbm>> -> memref<1x16384xf32, #tpu.memory_space<hbm>>
    %dma_wait3A_207 = tpu.memref_squeeze %dma_wait3A_206 : memref<1x16384xf32, #tpu.memory_space<hbm>> -> memref<16384xf32, #tpu.memory_space<hbm>>
    tpu.wait_dma2 semaphore(%arg15 : memref<!tpu.dma_semaphore, #tpu.memory_space<semaphore_mem>>) src(%dma_wait3A_207 : memref<16384xf32, #tpu.memory_space<hbm>>) dst(%arg8 : memref<16384xf32, #tpu.memory_space<vmem>>)
    %add3A_208 = arith.constant 2 : i32
    %add3A_209 = arith.addi %mul3A_4, %add3A_208 : i32
    %dma_start3A_210 = arith.constant 0 : i32
    %dma_start3A_211 = tpu.memref_slice %arg4[%add3A_209, %dma_start3A_210] : memref<200x16384xf32, #tpu.memory_space<hbm>> -> memref<1x16384xf32, #tpu.memory_space<hbm>>
    %dma_start3A_212 = tpu.memref_squeeze %dma_start3A_211 : memref<1x16384xf32, #tpu.memory_space<hbm>> -> memref<16384xf32, #tpu.memory_space<hbm>>
    %dma_start3A_213 = arith.constant 0 : i32
    %dma_start3A_214 = tpu.memref_slice %arg4[%add3A_209, %dma_start3A_213] : memref<200x16384xf32, #tpu.memory_space<hbm>> -> memref<1x16384xf32, #tpu.memory_space<hbm>>
    %dma_start3A_215 = tpu.memref_squeeze %dma_start3A_214 : memref<1x16384xf32, #tpu.memory_space<hbm>> -> memref<16384xf32, #tpu.memory_space<hbm>>
    tpu.enqueue_dma source(%arg8 : memref<16384xf32, #tpu.memory_space<vmem>>) target(%dma_start3A_215 : memref<16384xf32, #tpu.memory_space<hbm>>) target_semaphore(%arg20 : memref<!tpu.dma_semaphore, #tpu.memory_space<semaphore_mem>>)
    %add3A_216 = arith.constant 3 : i32
    %add3A_217 = arith.addi %mul3A_4, %add3A_216 : i32
    %get3A_218 = arith.index_cast %add3A_217 : i32 to index
    %get3A_219 = tpu.vector_load %arg5[%get3A_218] {strides = array<i32>} : memref<224xi32, #tpu.memory_space<vmem>>, vector<16xi32>,
    %jit3A_220 = arith.constant 0 : i32
    %broadcast_in_dim3A_221 = vector.broadcast %jit3A_220 : i32 to vector<16xi32>
    %select_n3A_222 = arith.select %eq3A_2, %get3A_219, %broadcast_in_dim3A_221 : vector<16xi1>, vector<16xi32>
    %reduce_sum3A_223 = arith.constant true
    %reduce_sum3A_224 = vector.broadcast %reduce_sum3A_223 : i1 to vector<16xi1>
    %reduce_sum3A_225 = tpu.scan <sum>, %select_n3A_222 masked %reduce_sum3A_224 : vector<16xi32>, vector<16xi1> -> vector<16xi32>
    %reduce_sum3A_226 = vector.extract %reduce_sum3A_225[15] : i32 from vector<16xi32>
    %dma_wait3A_227 = arith.constant 0 : i32
    %dma_wait3A_228 = tpu.memref_slice %arg2[%reduce_sum3A_226, %dma_wait3A_227] : memref<1000x16384xf32, #tpu.memory_space<hbm>> -> memref<1x16384xf32, #tpu.memory_space<hbm>>
    %dma_wait3A_229 = tpu.memref_squeeze %dma_wait3A_228 : memref<1x16384xf32, #tpu.memory_space<hbm>> -> memref<16384xf32, #tpu.memory_space<hbm>>
    %dma_wait3A_230 = arith.constant 0 : i32
    %dma_wait3A_231 = tpu.memref_slice %arg2[%reduce_sum3A_226, %dma_wait3A_230] : memref<1000x16384xf32, #tpu.memory_space<hbm>> -> memref<1x16384xf32, #tpu.memory_space<hbm>>
    %dma_wait3A_232 = tpu.memref_squeeze %dma_wait3A_231 : memref<1x16384xf32, #tpu.memory_space<hbm>> -> memref<16384xf32, #tpu.memory_space<hbm>>
    tpu.wait_dma2 semaphore(%arg16 : memref<!tpu.dma_semaphore, #tpu.memory_space<semaphore_mem>>) src(%dma_wait3A_232 : memref<16384xf32, #tpu.memory_space<hbm>>) dst(%arg9 : memref<16384xf32, #tpu.memory_space<vmem>>)
    %add3A_233 = arith.constant 3 : i32
    %add3A_234 = arith.addi %mul3A_4, %add3A_233 : i32
    %dma_start3A_235 = arith.constant 0 : i32
    %dma_start3A_236 = tpu.memref_slice %arg4[%add3A_234, %dma_start3A_235] : memref<200x16384xf32, #tpu.memory_space<hbm>> -> memref<1x16384xf32, #tpu.memory_space<hbm>>
    %dma_start3A_237 = tpu.memref_squeeze %dma_start3A_236 : memref<1x16384xf32, #tpu.memory_space<hbm>> -> memref<16384xf32, #tpu.memory_space<hbm>>
    %dma_start3A_238 = arith.constant 0 : i32
    %dma_start3A_239 = tpu.memref_slice %arg4[%add3A_234, %dma_start3A_238] : memref<200x16384xf32, #tpu.memory_space<hbm>> -> memref<1x16384xf32, #tpu.memory_space<hbm>>
    %dma_start3A_240 = tpu.memref_squeeze %dma_start3A_239 : memref<1x16384xf32, #tpu.memory_space<hbm>> -> memref<16384xf32, #tpu.memory_space<hbm>>
    tpu.enqueue_dma source(%arg9 : memref<16384xf32, #tpu.memory_space<vmem>>) target(%dma_start3A_240 : memref<16384xf32, #tpu.memory_space<hbm>>) target_semaphore(%arg20 : memref<!tpu.dma_semaphore, #tpu.memory_space<semaphore_mem>>)
    %add3A_241 = arith.constant 4 : i32
    %add3A_242 = arith.addi %mul3A_4, %add3A_241 : i32
    %get3A_243 = arith.index_cast %add3A_242 : i32 to index
    %get3A_244 = tpu.vector_load %arg5[%get3A_243] {strides = array<i32>} : memref<224xi32, #tpu.memory_space<vmem>>, vector<16xi32>,
    %jit3A_245 = arith.constant 0 : i32
    %broadcast_in_dim3A_246 = vector.broadcast %jit3A_245 : i32 to vector<16xi32>
    %select_n3A_247 = arith.select %eq3A_2, %get3A_244, %broadcast_in_dim3A_246 : vector<16xi1>, vector<16xi32>
    %reduce_sum3A_248 = arith.constant true
    %reduce_sum3A_249 = vector.broadcast %reduce_sum3A_248 : i1 to vector<16xi1>
    %reduce_sum3A_250 = tpu.scan <sum>, %select_n3A_247 masked %reduce_sum3A_249 : vector<16xi32>, vector<16xi1> -> vector<16xi32>
    %reduce_sum3A_251 = vector.extract %reduce_sum3A_250[15] : i32 from vector<16xi32>
    %dma_wait3A_252 = arith.constant 0 : i32
    %dma_wait3A_253 = tpu.memref_slice %arg2[%reduce_sum3A_251, %dma_wait3A_252] : memref<1000x16384xf32, #tpu.memory_space<hbm>> -> memref<1x16384xf32, #tpu.memory_space<hbm>>
    %dma_wait3A_254 = tpu.memref_squeeze %dma_wait3A_253 : memref<1x16384xf32, #tpu.memory_space<hbm>> -> memref<16384xf32, #tpu.memory_space<hbm>>
    %dma_wait3A_255 = arith.constant 0 : i32
    %dma_wait3A_256 = tpu.memref_slice %arg2[%reduce_sum3A_251, %dma_wait3A_255] : memref<1000x16384xf32, #tpu.memory_space<hbm>> -> memref<1x16384xf32, #tpu.memory_space<hbm>>
    %dma_wait3A_257 = tpu.memref_squeeze %dma_wait3A_256 : memref<1x16384xf32, #tpu.memory_space<hbm>> -> memref<16384xf32, #tpu.memory_space<hbm>>
    tpu.wait_dma2 semaphore(%arg17 : memref<!tpu.dma_semaphore, #tpu.memory_space<semaphore_mem>>) src(%dma_wait3A_257 : memref<16384xf32, #tpu.memory_space<hbm>>) dst(%arg10 : memref<16384xf32, #tpu.memory_space<vmem>>)
    %add3A_258 = arith.constant 4 : i32
    %add3A_259 = arith.addi %mul3A_4, %add3A_258 : i32
    %dma_start3A_260 = arith.constant 0 : i32
    %dma_start3A_261 = tpu.memref_slice %arg4[%add3A_259, %dma_start3A_260] : memref<200x16384xf32, #tpu.memory_space<hbm>> -> memref<1x16384xf32, #tpu.memory_space<hbm>>
    %dma_start3A_262 = tpu.memref_squeeze %dma_start3A_261 : memref<1x16384xf32, #tpu.memory_space<hbm>> -> memref<16384xf32, #tpu.memory_space<hbm>>
    %dma_start3A_263 = arith.constant 0 : i32
    %dma_start3A_264 = tpu.memref_slice %arg4[%add3A_259, %dma_start3A_263] : memref<200x16384xf32, #tpu.memory_space<hbm>> -> memref<1x16384xf32, #tpu.memory_space<hbm>>
    %dma_start3A_265 = tpu.memref_squeeze %dma_start3A_264 : memref<1x16384xf32, #tpu.memory_space<hbm>> -> memref<16384xf32, #tpu.memory_space<hbm>>
    tpu.enqueue_dma source(%arg10 : memref<16384xf32, #tpu.memory_space<vmem>>) target(%dma_start3A_265 : memref<16384xf32, #tpu.memory_space<hbm>>) target_semaphore(%arg20 : memref<!tpu.dma_semaphore, #tpu.memory_space<semaphore_mem>>)
    %add3A_266 = arith.constant 5 : i32
    %add3A_267 = arith.addi %mul3A_4, %add3A_266 : i32
    %get3A_268 = arith.index_cast %add3A_267 : i32 to index
    %get3A_269 = tpu.vector_load %arg5[%get3A_268] {strides = array<i32>} : memref<224xi32, #tpu.memory_space<vmem>>, vector<16xi32>,
    %jit3A_270 = arith.constant 0 : i32
    %broadcast_in_dim3A_271 = vector.broadcast %jit3A_270 : i32 to vector<16xi32>
    %select_n3A_272 = arith.select %eq3A_2, %get3A_269, %broadcast_in_dim3A_271 : vector<16xi1>, vector<16xi32>
    %reduce_sum3A_273 = arith.constant true
    %reduce_sum3A_274 = vector.broadcast %reduce_sum3A_273 : i1 to vector<16xi1>
    %reduce_sum3A_275 = tpu.scan <sum>, %select_n3A_272 masked %reduce_sum3A_274 : vector<16xi32>, vector<16xi1> -> vector<16xi32>
    %reduce_sum3A_276 = vector.extract %reduce_sum3A_275[15] : i32 from vector<16xi32>
    %dma_wait3A_277 = arith.constant 0 : i32
    %dma_wait3A_278 = tpu.memref_slice %arg2[%reduce_sum3A_276, %dma_wait3A_277] : memref<1000x16384xf32, #tpu.memory_space<hbm>> -> memref<1x16384xf32, #tpu.memory_space<hbm>>
    %dma_wait3A_279 = tpu.memref_squeeze %dma_wait3A_278 : memref<1x16384xf32, #tpu.memory_space<hbm>> -> memref<16384xf32, #tpu.memory_space<hbm>>
    %dma_wait3A_280 = arith.constant 0 : i32
    %dma_wait3A_281 = tpu.memref_slice %arg2[%reduce_sum3A_276, %dma_wait3A_280] : memref<1000x16384xf32, #tpu.memory_space<hbm>> -> memref<1x16384xf32, #tpu.memory_space<hbm>>
    %dma_wait3A_282 = tpu.memref_squeeze %dma_wait3A_281 : memref<1x16384xf32, #tpu.memory_space<hbm>> -> memref<16384xf32, #tpu.memory_space<hbm>>
    tpu.wait_dma2 semaphore(%arg18 : memref<!tpu.dma_semaphore, #tpu.memory_space<semaphore_mem>>) src(%dma_wait3A_282 : memref<16384xf32, #tpu.memory_space<hbm>>) dst(%arg11 : memref<16384xf32, #tpu.memory_space<vmem>>)
    %add3A_283 = arith.constant 5 : i32
    %add3A_284 = arith.addi %mul3A_4, %add3A_283 : i32
    %dma_start3A_285 = arith.constant 0 : i32
    %dma_start3A_286 = tpu.memref_slice %arg4[%add3A_284, %dma_start3A_285] : memref<200x16384xf32, #tpu.memory_space<hbm>> -> memref<1x16384xf32, #tpu.memory_space<hbm>>
    %dma_start3A_287 = tpu.memref_squeeze %dma_start3A_286 : memref<1x16384xf32, #tpu.memory_space<hbm>> -> memref<16384xf32, #tpu.memory_space<hbm>>
    %dma_start3A_288 = arith.constant 0 : i32
    %dma_start3A_289 = tpu.memref_slice %arg4[%add3A_284, %dma_start3A_288] : memref<200x16384xf32, #tpu.memory_space<hbm>> -> memref<1x16384xf32, #tpu.memory_space<hbm>>
    %dma_start3A_290 = tpu.memref_squeeze %dma_start3A_289 : memref<1x16384xf32, #tpu.memory_space<hbm>> -> memref<16384xf32, #tpu.memory_space<hbm>>
    tpu.enqueue_dma source(%arg11 : memref<16384xf32, #tpu.memory_space<vmem>>) target(%dma_start3A_290 : memref<16384xf32, #tpu.memory_space<hbm>>) target_semaphore(%arg20 : memref<!tpu.dma_semaphore, #tpu.memory_space<semaphore_mem>>)
    %ge3A_291 = arith.constant 0 : i32
    %ge3A_292 = arith.cmpi sge, %sub3A_5, %ge3A_291 : i32
    %convert_element_type3A_293 = arith.extui %ge3A_292 : i1 to i32
    %cond3A_294 = arith.constant 0 : i32
    %cond3A_295 = arith.cmpi ne, %convert_element_type3A_293, %cond3A_294 : i32
    scf.if %cond3A_295 {
      %get3A_349 = arith.index_cast %add3A_24 : i32 to index
      %get3A_350 = tpu.vector_load %arg5[%get3A_349] {strides = array<i32>} : memref<224xi32, #tpu.memory_space<vmem>>, vector<16xi32>,
      %jit3A_351 = arith.constant 0 : i32
      %broadcast_in_dim3A_352 = vector.broadcast %jit3A_351 : i32 to vector<16xi32>
      %select_n3A_353 = arith.select %eq3A_2, %get3A_350, %broadcast_in_dim3A_352 : vector<16xi1>, vector<16xi32>
      %reduce_sum3A_354 = arith.constant true
      %reduce_sum3A_355 = vector.broadcast %reduce_sum3A_354 : i1 to vector<16xi1>
      %reduce_sum3A_356 = tpu.scan <sum>, %select_n3A_353 masked %reduce_sum3A_355 : vector<16xi32>, vector<16xi1> -> vector<16xi32>
      %reduce_sum3A_357 = vector.extract %reduce_sum3A_356[15] : i32 from vector<16xi32>
      %dma_wait3A_358 = tpu.memref_slice %arg2[%reduce_sum3A_357, %mul3A_41] : memref<1000x16384xf32, #tpu.memory_space<hbm>> -> memref<1x8192xf32, #tpu.memory_space<hbm>>
      %dma_wait3A_359 = tpu.memref_squeeze %dma_wait3A_358 : memref<1x8192xf32, #tpu.memory_space<hbm>> -> memref<8192xf32, #tpu.memory_space<hbm>>
      %dma_wait3A_360 = tpu.memref_slice %arg2[%reduce_sum3A_357, %mul3A_41] : memref<1000x16384xf32, #tpu.memory_space<hbm>> -> memref<1x8192xf32, #tpu.memory_space<hbm>>
      %dma_wait3A_361 = tpu.memref_squeeze %dma_wait3A_360 : memref<1x8192xf32, #tpu.memory_space<hbm>> -> memref<8192xf32, #tpu.memory_space<hbm>>
      tpu.wait_dma2 semaphore(%arg19 : memref<!tpu.dma_semaphore, #tpu.memory_space<semaphore_mem>>) src(%dma_wait3A_361 : memref<8192xf32, #tpu.memory_space<hbm>>) dst(%arg12 : memref<8192xf32, #tpu.memory_space<vmem>>)
      %dma_start3A_362 = tpu.memref_slice %arg4[%add3A_24, %mul3A_41] : memref<200x16384xf32, #tpu.memory_space<hbm>> -> memref<1x8192xf32, #tpu.memory_space<hbm>>
      %dma_start3A_363 = tpu.memref_squeeze %dma_start3A_362 : memref<1x8192xf32, #tpu.memory_space<hbm>> -> memref<8192xf32, #tpu.memory_space<hbm>>
      %dma_start3A_364 = tpu.memref_slice %arg4[%add3A_24, %mul3A_41] : memref<200x16384xf32, #tpu.memory_space<hbm>> -> memref<1x8192xf32, #tpu.memory_space<hbm>>
      %dma_start3A_365 = tpu.memref_squeeze %dma_start3A_364 : memref<1x8192xf32, #tpu.memory_space<hbm>> -> memref<8192xf32, #tpu.memory_space<hbm>>
      tpu.enqueue_dma source(%arg12 : memref<8192xf32, #tpu.memory_space<vmem>>) target(%dma_start3A_365 : memref<8192xf32, #tpu.memory_space<hbm>>) target_semaphore(%arg20 : memref<!tpu.dma_semaphore, #tpu.memory_space<semaphore_mem>>)
    } else {
    }
    %add3A_296 = arith.constant 0 : i32
    %add3A_297 = arith.addi %mul3A_4, %add3A_296 : i32
    %dma_wait3A_298 = arith.constant 0 : i32
    %dma_wait3A_299 = tpu.memref_slice %arg4[%add3A_297, %dma_wait3A_298] : memref<200x16384xf32, #tpu.memory_space<hbm>> -> memref<1x16384xf32, #tpu.memory_space<hbm>>
    %dma_wait3A_300 = tpu.memref_squeeze %dma_wait3A_299 : memref<1x16384xf32, #tpu.memory_space<hbm>> -> memref<16384xf32, #tpu.memory_space<hbm>>
    %dma_wait3A_301 = arith.constant 0 : i32
    %dma_wait3A_302 = tpu.memref_slice %arg4[%add3A_297, %dma_wait3A_301] : memref<200x16384xf32, #tpu.memory_space<hbm>> -> memref<1x16384xf32, #tpu.memory_space<hbm>>
    %dma_wait3A_303 = tpu.memref_squeeze %dma_wait3A_302 : memref<1x16384xf32, #tpu.memory_space<hbm>> -> memref<16384xf32, #tpu.memory_space<hbm>>
    tpu.wait_dma2 semaphore(%arg20 : memref<!tpu.dma_semaphore, #tpu.memory_space<semaphore_mem>>) src(%arg6 : memref<16384xf32, #tpu.memory_space<vmem>>) dst(%dma_wait3A_303 : memref<16384xf32, #tpu.memory_space<hbm>>)
    %add3A_304 = arith.constant 1 : i32
    %add3A_305 = arith.addi %mul3A_4, %add3A_304 : i32
    %dma_wait3A_306 = arith.constant 0 : i32
    %dma_wait3A_307 = tpu.memref_slice %arg4[%add3A_305, %dma_wait3A_306] : memref<200x16384xf32, #tpu.memory_space<hbm>> -> memref<1x16384xf32, #tpu.memory_space<hbm>>
    %dma_wait3A_308 = tpu.memref_squeeze %dma_wait3A_307 : memref<1x16384xf32, #tpu.memory_space<hbm>> -> memref<16384xf32, #tpu.memory_space<hbm>>
    %dma_wait3A_309 = arith.constant 0 : i32
    %dma_wait3A_310 = tpu.memref_slice %arg4[%add3A_305, %dma_wait3A_309] : memref<200x16384xf32, #tpu.memory_space<hbm>> -> memref<1x16384xf32, #tpu.memory_space<hbm>>
    %dma_wait3A_311 = tpu.memref_squeeze %dma_wait3A_310 : memref<1x16384xf32, #tpu.memory_space<hbm>> -> memref<16384xf32, #tpu.memory_space<hbm>>
    tpu.wait_dma2 semaphore(%arg20 : memref<!tpu.dma_semaphore, #tpu.memory_space<semaphore_mem>>) src(%arg7 : memref<16384xf32, #tpu.memory_space<vmem>>) dst(%dma_wait3A_311 : memref<16384xf32, #tpu.memory_space<hbm>>)
    %add3A_312 = arith.constant 2 : i32
    %add3A_313 = arith.addi %mul3A_4, %add3A_312 : i32
    %dma_wait3A_314 = arith.constant 0 : i32
    %dma_wait3A_315 = tpu.memref_slice %arg4[%add3A_313, %dma_wait3A_314] : memref<200x16384xf32, #tpu.memory_space<hbm>> -> memref<1x16384xf32, #tpu.memory_space<hbm>>
    %dma_wait3A_316 = tpu.memref_squeeze %dma_wait3A_315 : memref<1x16384xf32, #tpu.memory_space<hbm>> -> memref<16384xf32, #tpu.memory_space<hbm>>
    %dma_wait3A_317 = arith.constant 0 : i32
    %dma_wait3A_318 = tpu.memref_slice %arg4[%add3A_313, %dma_wait3A_317] : memref<200x16384xf32, #tpu.memory_space<hbm>> -> memref<1x16384xf32, #tpu.memory_space<hbm>>
    %dma_wait3A_319 = tpu.memref_squeeze %dma_wait3A_318 : memref<1x16384xf32, #tpu.memory_space<hbm>> -> memref<16384xf32, #tpu.memory_space<hbm>>
    tpu.wait_dma2 semaphore(%arg20 : memref<!tpu.dma_semaphore, #tpu.memory_space<semaphore_mem>>) src(%arg8 : memref<16384xf32, #tpu.memory_space<vmem>>) dst(%dma_wait3A_319 : memref<16384xf32, #tpu.memory_space<hbm>>)
    %add3A_320 = arith.constant 3 : i32
    %add3A_321 = arith.addi %mul3A_4, %add3A_320 : i32
    %dma_wait3A_322 = arith.constant 0 : i32
    %dma_wait3A_323 = tpu.memref_slice %arg4[%add3A_321, %dma_wait3A_322] : memref<200x16384xf32, #tpu.memory_space<hbm>> -> memref<1x16384xf32, #tpu.memory_space<hbm>>
    %dma_wait3A_324 = tpu.memref_squeeze %dma_wait3A_323 : memref<1x16384xf32, #tpu.memory_space<hbm>> -> memref<16384xf32, #tpu.memory_space<hbm>>
    %dma_wait3A_325 = arith.constant 0 : i32
    %dma_wait3A_326 = tpu.memref_slice %arg4[%add3A_321, %dma_wait3A_325] : memref<200x16384xf32, #tpu.memory_space<hbm>> -> memref<1x16384xf32, #tpu.memory_space<hbm>>
    %dma_wait3A_327 = tpu.memref_squeeze %dma_wait3A_326 : memref<1x16384xf32, #tpu.memory_space<hbm>> -> memref<16384xf32, #tpu.memory_space<hbm>>
    tpu.wait_dma2 semaphore(%arg20 : memref<!tpu.dma_semaphore, #tpu.memory_space<semaphore_mem>>) src(%arg9 : memref<16384xf32, #tpu.memory_space<vmem>>) dst(%dma_wait3A_327 : memref<16384xf32, #tpu.memory_space<hbm>>)
    %add3A_328 = arith.constant 4 : i32
    %add3A_329 = arith.addi %mul3A_4, %add3A_328 : i32
    %dma_wait3A_330 = arith.constant 0 : i32
    %dma_wait3A_331 = tpu.memref_slice %arg4[%add3A_329, %dma_wait3A_330] : memref<200x16384xf32, #tpu.memory_space<hbm>> -> memref<1x16384xf32, #tpu.memory_space<hbm>>
    %dma_wait3A_332 = tpu.memref_squeeze %dma_wait3A_331 : memref<1x16384xf32, #tpu.memory_space<hbm>> -> memref<16384xf32, #tpu.memory_space<hbm>>
    %dma_wait3A_333 = arith.constant 0 : i32
    %dma_wait3A_334 = tpu.memref_slice %arg4[%add3A_329, %dma_wait3A_333] : memref<200x16384xf32, #tpu.memory_space<hbm>> -> memref<1x16384xf32, #tpu.memory_space<hbm>>
    %dma_wait3A_335 = tpu.memref_squeeze %dma_wait3A_334 : memref<1x16384xf32, #tpu.memory_space<hbm>> -> memref<16384xf32, #tpu.memory_space<hbm>>
    tpu.wait_dma2 semaphore(%arg20 : memref<!tpu.dma_semaphore, #tpu.memory_space<semaphore_mem>>) src(%arg10 : memref<16384xf32, #tpu.memory_space<vmem>>) dst(%dma_wait3A_335 : memref<16384xf32, #tpu.memory_space<hbm>>)
    %add3A_336 = arith.constant 5 : i32
    %add3A_337 = arith.addi %mul3A_4, %add3A_336 : i32
    %dma_wait3A_338 = arith.constant 0 : i32
    %dma_wait3A_339 = tpu.memref_slice %arg4[%add3A_337, %dma_wait3A_338] : memref<200x16384xf32, #tpu.memory_space<hbm>> -> memref<1x16384xf32, #tpu.memory_space<hbm>>
    %dma_wait3A_340 = tpu.memref_squeeze %dma_wait3A_339 : memref<1x16384xf32, #tpu.memory_space<hbm>> -> memref<16384xf32, #tpu.memory_space<hbm>>
    %dma_wait3A_341 = arith.constant 0 : i32
    %dma_wait3A_342 = tpu.memref_slice %arg4[%add3A_337, %dma_wait3A_341] : memref<200x16384xf32, #tpu.memory_space<hbm>> -> memref<1x16384xf32, #tpu.memory_space<hbm>>
    %dma_wait3A_343 = tpu.memref_squeeze %dma_wait3A_342 : memref<1x16384xf32, #tpu.memory_space<hbm>> -> memref<16384xf32, #tpu.memory_space<hbm>>
    tpu.wait_dma2 semaphore(%arg20 : memref<!tpu.dma_semaphore, #tpu.memory_space<semaphore_mem>>) src(%arg11 : memref<16384xf32, #tpu.memory_space<vmem>>) dst(%dma_wait3A_343 : memref<16384xf32, #tpu.memory_space<hbm>>)
    %ge3A_344 = arith.constant 0 : i32
    %ge3A_345 = arith.cmpi sge, %sub3A_5, %ge3A_344 : i32
    %convert_element_type3A_346 = arith.extui %ge3A_345 : i1 to i32
    %cond3A_347 = arith.constant 0 : i32
    %cond3A_348 = arith.cmpi ne, %convert_element_type3A_346, %cond3A_347 : i32
    scf.if %cond3A_348 {
      %dma_wait3A_349 = tpu.memref_slice %arg4[%add3A_24, %mul3A_41] : memref<200x16384xf32, #tpu.memory_space<hbm>> -> memref<1x8192xf32, #tpu.memory_space<hbm>>
      %dma_wait3A_350 = tpu.memref_squeeze %dma_wait3A_349 : memref<1x8192xf32, #tpu.memory_space<hbm>> -> memref<8192xf32, #tpu.memory_space<hbm>>
      %dma_wait3A_351 = tpu.memref_slice %arg4[%add3A_24, %mul3A_41] : memref<200x16384xf32, #tpu.memory_space<hbm>> -> memref<1x8192xf32, #tpu.memory_space<hbm>>
      %dma_wait3A_352 = tpu.memref_squeeze %dma_wait3A_351 : memref<1x8192xf32, #tpu.memory_space<hbm>> -> memref<8192xf32, #tpu.memory_space<hbm>>
      tpu.wait_dma2 semaphore(%arg20 : memref<!tpu.dma_semaphore, #tpu.memory_space<semaphore_mem>>) src(%arg12 : memref<8192xf32, #tpu.memory_space<vmem>>) dst(%dma_wait3A_352 : memref<8192xf32, #tpu.memory_space<hbm>>)
    } else {
    }
    return
  }
}

</mosaic_0001>

<sc_bundles>
// kernel: kernel.3.cloned.1.call-start
scs
__scs_entry_jumppad:
0x0: {  	(pc) =	sbr.rel $0x88, $3  }
0x1: {  	(tag) =	ssettag $0x0;
	lr =	simm.s32 $0x1  }
0x2: {  	[smem:$0x3F9F] =	sst lr;
	_ =	strace $0xD0000000  }
0x3: {  	_ = 	snop  }
0x4: {  	_ = 	snop  }
0x5: {  	_ = 	snop  }
0x6: {  	_ = 	snop  }
0x7: {  	_ = 	snop  }
__scs_overlays_trampoline_lowered:
0x8: {  	[smem:$0x3FAE] =	sst s0  }
0x9: {  	[smem:$0x3FAF] =	sst s1  }
0xa: {  	[smem:$0x3FB0] =	sst s2  }
0xb: {  	[smem:$0x3FB1] =	sst s3  }
0xc: {  	[smem:$0x3FB2] =	sst s4  }
0xd: {  	[smem:$0x3FB3] =	sst s5  }
0xe: {  	[smem:$0x3FB4] =	sst s6  }
0xf: {  	[smem:$0x3FB5] =	sst s7  }
0x10: {  	[smem:$0x3FB6] =	sst s8  }
0x11: {  	[smem:$0x3FB7] =	sst s9;
	s0 =	simm.s32 @!p0 $0x0  }
0x12: {  	s1 =	sld [smem:$0x3F9D];
	s0 =	simm.s32 @p0 $0x1  }
0x13: {  	[smem:$0x3FB8] =	sst s0;
	s0 =	simm.s32 @!p1 $0x0  }
0x14: {  	s2 =	sld [smem:$0x3F9C];
	s0 =	simm.s32 @p1 $0x1  }
0x15: {  	[smem:$0x3FB9] =	sst s0;
	s0 =	simm.s32 @!p2 $0x0  }
0x16: {  	s3 =	sld [smem:$0x3FDB];
	s0 =	simm.s32 @p2 $0x1  }
0x17: {  	s4 =	simm.s32 $0x1BF5;
	[smem:$0x3FBB] =	sst s0  }
0x18: {  	s0 =	sld [smem:$0x3F9E];
	_ =	swait.ge [sflag:s4], $0x0  }
0x19: {  	s7 =	sld [smem:$0x3F9F]  }
0x1a: {  	s8 =	sadd.s32 $0xFFFFE003, lr  }
0x1b: {  	s9 =	sadd.s32 $0xFFFFFEF7, lr;
	s5 =	simm.s32 $0xFFFFFFFF;
	p2 =	slt.u32 s8, $0xFFFFF086  }
0x1c: {  	p1 =	slt.u32 s9, $0xF7A;
	s5 =	simm.s32 @!p2 $0x0  }
0x1d: {  	s5 =	simm.s32 @p1 $0x1;
	p0 =	seq.s32 s7, s2  }
0x1e: {  	s7 =	smul.u32 @!p0 $0xF7A, s2;
	p2 =	seq.s32 @!p0 s5, $0x0  }
0x1f: {  	s9 =	smul.u32 $0xF7A, s1;
	s8 =	simm.s32 @!p0 $0x1BF5;
	p2 =	por !p2, p0  }
0x20: {  	[sflag:s8] =	ssyncset.s32 @!p0 $0xFFFFF086;
	s6 =	sadd.s32 @!p0 s3, s7;
	s7 =	simm.s32 @!p0 $0x108  }
0x21: {  	s3 =	sadd.s32 s3, s9;
	s6 =	sadd.s32 @!p0 $0x88, s6;
	s7 =	simm.s32 @p2 $0x1082  }
0x22: {  	[simem:s7], [sflag:s8] =	dma.local @!p0 [hbm:s6], $0xF7A  }
0x23: {  	s9 =	sor.u32 $0xD0000000, s2;
	s6 =	simm.s32 $0x108;
	_ =	swait.ge @!p0 [sflag:s8], $0x0  }
0x24: {  	s3 =	sadd.s32 $0x88, s3;
	s6 =	simm.s32 @!p1 $0x1082;
	[sflag:s4] =	ssyncset.s32 $0xFFFFF086  }
0x25: {  	[simem:s6], [sflag:s4] =	dma.local [hbm:s3], $0xF7A  }
0x26: {  	[smem:$0x3F9F] =	sst s1;
	(tag) =	ssettag s2;
	_ =	strace s9  }
0x27: {  	s1 =	sld [smem:$0x3FAF]  }
0x28: {  	s2 =	sld [smem:$0x3FB0]  }
0x29: {  	s4 =	sld [smem:$0x3FB2]  }
0x2a: {  	p0 =	seq.s32 s5, $0x0;
	s5 =	sld [smem:$0x3FB3]  }
0x2b: {  	s6 =	sld [smem:$0x3FB4]  }
0x2c: {  	s7 =	sld [smem:$0x3FB5]  }
0x2d: {  	s3 =	simm.s32 $0x108;
	s8 =	sld [smem:$0x3FB6]  }
0x2e: {  	s3 =	simm.s32 @!p0 $0x1082;
	s9 =	sld [smem:$0x3FB7]  }
0x2f: {  	lr =	sadd.s32 s0, s3;
	s0 =	sld [smem:$0x3FAE]  }
0x30: {  	s3 =	sld [smem:$0x3FB1]  }
0x31: {  	[smem:$0x3FBA] =	sst s10  }
0x32: {  	s10 =	sld [smem:$0x3FB8];
	_ =	sdelay $0x3  }
0x33: {  	p0 =	seq.s32 s10, $0x1;
	s10 =	sld [smem:$0x3FBA];
	_ =	sdelay $0x3  }
0x34: {  	[smem:$0x3FBA] =	sst s10  }
0x35: {  	s10 =	sld [smem:$0x3FB9];
	_ =	sdelay $0x3  }
0x36: {  	p1 =	seq.s32 s10, $0x1;
	s10 =	sld [smem:$0x3FBA];
	_ =	sdelay $0x3  }
0x37: {  	[smem:$0x3FBA] =	sst s10  }
0x38: {  	s10 =	sld [smem:$0x3FBB]  }
0x39: {  	_ = 	snop;
	(pc) =	sbr.ind lr, $3  }
0x3a: {  	_ = 	snop  }
0x3b: {  	_ = 	snop  }
0x3c: {  	p2 =	seq.s32 s10, $0x1;
	s10 =	sld [smem:$0x3FBA]  }
0x3d: {  	_ =	shalt  }
0x3e: {  	_ =	shalt  }
0x3f: {  	_ =	shalt  }
0x40: {  	_ =	shalt  }
0x41: {  	_ =	shalt  }
0x42: {  	_ =	shalt  }
0x43: {  	_ =	shalt  }
0x44: {  	_ =	shalt  }
0x45: {  	_ =	shalt  }
0x46: {  	_ =	shalt  }
0x47: {  	_ =	shalt  }
0x48: {  	_ =	shalt  }
0x49: {  	_ =	shalt  }
0x4a: {  	_ =	shalt  }
0x4b: {  	_ =	shalt  }
0x4c: {  	_ =	shalt  }
0x4d: {  	_ =	shalt  }
0x4e: {  	_ =	shalt  }
0x4f: {  	_ =	shalt  }
0x50: {  	_ =	shalt  }
0x51: {  	_ =	shalt  }
0x52: {  	_ =	shalt  }
0x53: {  	_ =	shalt  }
0x54: {  	_ =	shalt  }
0x55: {  	_ =	shalt  }
0x56: {  	_ =	shalt  }
0x57: {  	_ =	shalt  }
0x58: {  	_ =	shalt  }
0x59: {  	_ =	shalt  }
0x5a: {  	_ =	shalt  }
0x5b: {  	_ =	shalt  }
0x5c: {  	_ =	shalt  }
0x5d: {  	_ =	shalt  }
0x5e: {  	_ =	shalt  }
0x5f: {  	_ =	shalt  }
0x60: {  	_ =	shalt  }
0x61: {  	_ =	shalt  }
0x62: {  	_ =	shalt  }
0x63: {  	_ =	shalt  }
0x64: {  	_ =	shalt  }
0x65: {  	_ =	shalt  }
0x66: {  	_ =	shalt  }
0x67: {  	_ =	shalt  }
0x68: {  	_ =	shalt  }
0x69: {  	_ =	shalt  }
0x6a: {  	_ =	shalt  }
0x6b: {  	_ =	shalt  }
0x6c: {  	_ =	shalt  }
0x6d: {  	_ =	shalt  }
0x6e: {  	_ =	shalt  }
0x6f: {  	_ =	shalt  }
0x70: {  	_ =	shalt  }
0x71: {  	_ =	shalt  }
0x72: {  	_ =	shalt  }
0x73: {  	_ =	shalt  }
0x74: {  	_ =	shalt  }
0x75: {  	_ =	shalt  }
0x76: {  	_ =	shalt  }
0x77: {  	_ =	shalt  }
0x78: {  	_ =	shalt  }
0x79: {  	_ =	shalt  }
0x7a: {  	_ =	shalt  }
0x7b: {  	_ =	shalt  }
0x7c: {  	_ =	shalt  }
0x7d: {  	_ =	shalt  }
0x7e: {  	_ =	shalt  }
0x7f: {  	_ =	shalt  }
0x80: {  	_ =	shalt  }
0x81: {  	_ =	shalt  }
0x82: {  	_ =	shalt  }
0x83: {  	_ =	shalt  }
0x84: {  	_ =	shalt  }
0x85: {  	_ =	shalt  }
0x86: {  	_ =	shalt  }
0x87: {  	_ =	shalt  }
.Lfunc_end0:
.L_simem_size_0:
called_computation_lowered:
.L_overlay_start_0:
0x88: {  	s2 =	sld [smem:$0x3FD9]  }
0x89: {  	s3 =	sld [smem:$0x3FFE];
	_ =	sdelay $0x1  }
0x8a: {  	s1 =	srdreg.scid  }
0x8b: {  	s0 =	sand.u32 $0x1, s1  }
0x8c: {  	s18 =	sshll.u32 s0, $0xA;
	s2 =	sadd.s32 s3, s2  }
0x8d: {  	s2 =	sadd.s32 s2, s18  }
0x8e: {  	[smem:$0x3FC6] =	sst s2  }
0x8f: {  	_ = 	snop  }
0x90: {  	s2 =	sld [smem:$0x3FC9]  }
0x91: {  	s19 =	sld [smem:$0x3FC8]  }
0x92: {  	s4 =	sld [smem:$0x3FD0];
	(tm) =	ssettm $0x1  }
0x93: {  	s5 =	sld [smem:$0x3FFB];
	_ =	sdelay $0x3  }
0x94: {  	_ =	strace s5  }
0x95: {  	s5 =	sld [smem:$0x3FFC];
	_ =	sdelay $0x3  }
0x96: {  	_ =	strace s5  }
0x97: {  	s5 =	sld [smem:$0x3FFD];
	_ =	sdelay $0x3  }
0x98: {  	_ =	strace s5  }
0x99: {  	_ =	strace $0x8FFFFFFF  }
0x9a: {  	s20 =	sld [smem:$0x3FDB];
	_ =	sdelay $0x1  }
0x9b: {  	s6 =	simm.s32 $_scs_section_size  }
0x9c: {  	s7 =	simm.s32 $_size__tile_overlayer_lowered;
	s8 =	simm.s32 $_tile_overlayer_lowered  }
0x9d: {  	s23 =	simm.s32 $0x1BFF;
	s22 =	sshll.u32 s8, $0x1;
	s5 =	sadd.s32 s6, s20  }
0x9e: {  	s9 =	simm.s32 $0x0;
	s21 =	sshll.u32 s7, $0x1;
	s7 =	sadd.s32 s22, s5  }
0x9f: {  	[timem:s9], [sflag:s23] =	dma.local [hbm:s7], s21  }
0xa0: {  	_ =	swait.ge [sflag:s23], s21  }
0xa1: {  	s6 =	ssub.s32 $0x0, s21;
	[sflag:s23] =	ssyncset.done $0x0  }
0xa2: {  	[sflag:s23] =	ssyncadd.s32 s6;
	_ =	sdelay $0x1  }
0xa3: {  	s24 =	simm.s32 $0x1B8B  }
0xa4: {  	_ =	swait.ge [sflag:s24], $0x1  }
0xa5: {  	[sflag:s24] =	ssyncset.done $0x0  }
0xa6: {  	s25 =	simm.s32 $0x1B8E;
	[sflag:s24] =	ssyncadd.s32 $0xFFFFFFFF  }
0xa7: {  	s26 =	simm.s32 $execute0_lowered;
	[smem:$0x3FD2] =	sst s25  }
0xa8: {  	s6 =	sshll.u32 s26, $0x1;
	_ =	strace $0x80000046;
	[dreg:$0x1] =	wrdreg $0xFFFFFFFF  }
0xa9: {  	s28 =	simm.s32 $_size_execute0_lowered;
	s5 =	sadd.s32 s5, s6;
	[dreg:$0x0] =	wrdreg $0x0  }
0xaa: {  	s6 =	sshll.u32 s28, $0x1;
	[dreg:$0x2] =	wrdreg s5  }
0xab: {  	[dreg:$0x3] =	wrdreg s6  }
0xac: {  	[dreg:$0x4] =	wrdreg $0xC0  }
0xad: {  	_ =	task [dreg:s9], $0x5FFFF  }
0xae: {  	[dreg:$0x1] =	wrdreg $0xFFFFFFFF  }
0xaf: {  	[dreg:$0x0] =	wrdreg $0x60  }
0xb0: {  	[dreg:$0x2] =	wrdreg s2  }
0xb1: {  	[dreg:$0x3] =	wrdreg s19  }
0xb2: {  	[dreg:$0x4] =	wrdreg s4  }
0xb3: {  	[dreg:$0x5] =	wrdreg $0x9  }
0xb4: {  	_ =	task.clear_ibuf [dreg:s9], $0x6FFFF;
	_ =	strace $0x90000046  }
0xb5: {  	s29 =	simm.s32 $0x9;
	_ =	strace $0x80000048  }
0xb6: {  	_ =	swait.ge [sflag:s29], $0x1  }
0xb7: {  	[sflag:s29] =	ssyncadd.s32 $0xFFFFFFFF  }
0xb8: {  	_ =	strace $0x90000048  }
0xb9: {  	_ =	sfence  }
0xba: {  	s30 =	sld [smem:$0x0];
	_ =	sdelay $0x2  }
0xbb: {  	s31 =	sshll.u32 s1, $0xD;
	s1 =	sshrl.u32 s1, $0x2  }
0xbc: {  	s3 =	sand.u32 $0x4000, s31;
	s1 =	sadd.s32 s1, s30  }
0xbd: {  	s0 =	sor.u32 s3, s0;
	s1 =	sshll.u32 s1, $0x11  }
0xbe: {  	s0 =	sor.u32 s1, s0  }
0xbf: {  	s0 =	sadd.s32 $0x8F2B, s0  }
0xc0: {  	[sflag:s0] =	ssyncadd.remote.s32 $0x1  }
0xc1: {  	_ =	sfence.sel $0xFFFF  }
0xc2: {  	[dreg:$0x0] =	wrdreg $0xFFFFFFFF;
	(pc) =	sbr.abs _section_cstart, $3  }
0xc3: {  	[dreg:$0x1] =	wrdreg $0xFFFFFFFF  }
0xc4: {  	_ =	task.clear_ibuf [dreg:s9], $0x2FFFF;
	_ =	strace $0x9FFFFFFF  }
0xc5: {  	(tm) =	ssettm $0x7FFFFFFF  }
tec
execute0_lowered:
.L_overlay_start_1:
0x0: {  	(tag) =	ssettag $0x1  }
0x1: {  	s1 =	srdreg.scid;
	s0 =	stileid.u32  }
0x2: {  	s4 =	sand.u32 $0x1, s1;
	s20 =	sshll.u32 s0, $0x1  }
0x3: {  	s2 =	rddreg [dreg:$0x0];
	s6 =	sor.u32 s4, s20  }
0x4: {  	s5 =	rddreg [dreg:$0x1];
	s1 =	sadd.s32 $0xFFFFFFF0, s6  }
0x5: {  	s24 =	rddreg [dreg:$0x3];
	s3 =	sand.u32 $0x80, s1  }
0x6: {  	[dreg:$0x4] =	wrdreg s5;
	s3 =	sshrl.u32 s3, $0x7  }
0x7: {  	s5 =	rddreg [dreg:$0x2];
	s20 =	simm.s32 $0x0;
	s7 =	sadd.s32 s3, s1  }
0x8: {  	s9 =	simm.s32 $0x1;
	[smem:$0x7FF] =	sst s20;
	s3 =	sand.u32 $0xFFFFFFFE, s7  }
0x9: {  	p0 =	slt.u32 s6, $0x11;
	_ =	strace $0x80000047;
	s8 =	ssub.s32 s1, s3  }
0xa: {  	s10 =	smul.u32 $0x18000, s6;
	s31 =	rddreg [dreg:$0x4];
	s3 =	sand.u32 $0xFF, s8  }
0xb: {  	s8 =	sshll.u32 s8, $0x18;
	p1 =	sne.s32 s3, $0x0;
	s3 =	smul.u32 $0x6, s6  }
0xc: {  	s7 =	sshra.s32 s7, $0x1;
	s6 =	smul.u32 $0x300, s6;
	s21 =	sshra.s32 s8, $0x18  }
0xd: {  	p0 =	por !p0, !p1;
	s21 =	sshll.u32 s21, $0x10;
	p1 =	por $0x0, $0x0  }
0xe: {  	p0 =	por !p0, !p0;
	s25 =	sadd.s32 $0x2, s3;
	s26 =	sor.u32 s6, s10  }
0xf: {  	s28 =	sadd.s32 $0x3, s3;
	s30 =	sadd.s32 $0x4, s3;
	s11 =	sadd.s32 $0x5, s3  }
0x10: {  	s9 =	simm.s32 @!p0 $0x0;
	s12 =	sshll.u32 s25, $0x4;
	s1 =	sshll.u32 s28, $0x4  }
0x11: {  	s6 =	sshll.u32 s28, $0xB;
	s14 =	sshll.u32 s30, $0xB;
	s18 =	sshll.u32 s11, $0xB  }
0x12: {  	s19 =	sshll.u32 s11, $0x4;
	p0 =	slt.u32 s0, $0x8;
	s22 =	ssub.s32 s7, s9  }
0x13: {  	s7 =	ssub.s32 $0x2, s4;
	s4 =	sand.u32 $0x3E0300, s26;
	s9 =	sshll.u32 s25, $0xB  }
0x14: {  	s12 =	sand.u32 $0x60, s12;
	s6 =	sand.u32 $0xFC000, s6;
	s16 =	sand.u32 $0xFC000, s14  }
0x15: {  	s10 =	sand.u32 $0x70, s19;
	s14 =	simm.s32 $0x1;
	s19 =	simm.s32 $0x2  }
0x16: {  	s23 =	sadd.s32 $0xC0, s22;
	s4 =	sshrl.u32 s4, $0x3;
	s9 =	sand.u32 $0xFC000, s9  }
0x17: {  	s12 =	sadd.s32 s5, s12;
	s10 =	sadd.s32 s5, s10;
	s26 =	sshrl.u32 s7, $0x1  }
0x18: {  	s4 =	sadd.s32 s5, s4;
	s9 =	sadd.s32 s9, s12;
	s12 =	sand.u32 $0x70, s1  }
0x19: {  	s8 =	sshll.u32 s23, $0xE;
	s23 =	sshll.u32 s22, $0x7;
	s28 =	ssub.s32 s7, s26  }
0x1a: {  	s7 =	simm.s32 $0x400;
	s13 =	sadd.s32 $0x10, s4;
	[dreg:$0x6] =	wrdreg s9  }
0x1b: {  	s9 =	sadd.s32 s5, s12;
	s8 =	sand.u32 $0x7FFE0000, s8;
	s11 =	sand.u32 $0x380, s23  }
0x1c: {  	s23 =	simm.s32 $0x9;
	s12 =	simm.s32 $0x5;
	[dreg:$0x5] =	wrdreg s13  }
0x1d: {  	s13 =	sshll.u32 s30, $0x4;
	s6 =	sadd.s32 s6, s9;
	s8 =	sadd.s32 s21, s8  }
0x1e: {  	s9 =	sand.u32 $0xFC000, s18;
	s30 =	smax.u32 s28, $0x1;
	s18 =	simm.s32 $0x100  }
0x1f: {  	s15 =	sand.u32 $0x60, s13;
	[dreg:$0x7] =	wrdreg s6;
	s8 =	sor.u32 s11, s8  }
0x20: {  	s25 =	sadd.s32 s9, s10;
	s13 =	simm.s32 $0x8100;
	s29 =	sadd.s32 $0xFFFFFFFF, s30  }
0x21: {  	s11 =	simm.s32 $0xC100;
	s9 =	simm.s32 $0x10100;
	p2 =	sne.s32 s29, $0x0  }
.Ltmp0:
0x22: {  	s10 =	simm.s32 $0x6;
	s17 =	sadd.s32 s5, s15;
	(pc) =	sbr.rel @!p2 .LBB2_1-.Ltmp0, $4  }
0x23: {  	s8 =	sshrl.u32 s8, $0x3;
	[dreg:$0x9] =	wrdreg s25;
	s15 =	simm.s32 $0x4  }
0x24: {  	s6 =	sadd.s32 s16, s17;
	s5 =	sadd.s32 s5, s8;
	s16 =	simm.s32 $0x4100  }
0x25: {  	s8 =	simm.s32 $0x14100;
	s17 =	simm.s32 $0x3;
	[dreg:$0x8] =	wrdreg s6  }
0x26: {  	vm0 =	vmmov $0x1;
	vm1 =	vmmov @!p0 $0x1;
	[dreg:$0xa] =	wrdreg s5;
	s6 =	simm.s32 $0x80;
	s5 =	simm.s32 $0x8  }
0x27: {  	[tilespmem:s20], [sflag:$0x9] =	stream.linear.gather [hbm4b:s31+s20], $0xC8, $0x38;
	[tilespmem:$0x1A100] =	vst v63  }
0x28: {  	_ =	swait.ge [sflag:s23], $0xC8  }
0x29: {  	[sflag:s23] =	ssyncset.done $0x0  }
0x2a: {  	[sflag:s23] =	ssyncadd.s32 $0xFFFFFF38  }
0x2b: {  	v0 =	vld @!p0 [tilespmem:s22+$0xC0];
	_ =	sdelay $0x4  }
0x2c: {  	v0 =	vnsel @!p0 vm1, $0x0, v0  }
0x2d: {  	(xrf0) =	vadd.scan.msk.s32 @!p0 $0xffff, v0;
	_ =	sdelay $0x5  }
0x2e: {  	v0, _, _ =	vpop @!p0 (xrf0)  }
0x2f: {  	(v2sf) =	vpush @!p0 v0, $0xF;
	_ =	sdelay $0xe  }
0x30: {  	s24 =	spop @!p0 (v2sf)  }
0x31: {  	s25 =	sshll.u32 @!p0 s24, $0xE  }
0x32: {  	s24 =	sshll.u32 @!p0 s24, $0x7;
	s25 =	sand.u32 @!p0 $0xFFFE0000, s25  }
0x33: {  	s24 =	sand.u32 @!p0 $0x380, s24;
	s25 =	sadd.s32 @!p0 s21, s25  }
0x34: {  	s24 =	sor.u32 @!p0 s24, s25  }
0x35: {  	s26 =	simm.s32 @!p0 $0x400;
	s25 =	sshrl.u32 @!p0 s24, $0x3  }
0x36: {  	s24 =	simm.s32 @!p0 $0x18100;
	s28 =	sadd.s32 @!p0 s2, s25;
	s25 =	simm.s32 @!p0 $0x80  }
0x37: {  	[tilespmem:s24], [sflag:$0x7] =	stream.strided.gather @!p0 [hbm4b:s28+s25], $0x2000, s26, s25, $0x38;
	[tilespmem:$0x1A100] =	vst v63  }
0x38: {  	v58 =	vld [tilespmem:s3+$0x0];
	_ =	sdelay $0x4  }
0x39: {  	v0 =	vnsel vm0, $0x0, v58  }
0x3a: {  	(xrf0) =	vadd.scan.msk.s32 $0xffff, v0;
	_ =	sdelay $0x5  }
0x3b: {  	v0, _, _ =	vpop (xrf0)  }
0x3c: {  	(v2sf) =	vpush v0, $0xF;
	_ =	sdelay $0xe  }
0x3d: {  	s28 =	spop (v2sf)  }
0x3e: {  	s30 =	sshll.u32 s28, $0xE;
	s28 =	sshll.u32 s28, $0x7  }
0x3f: {  	s30 =	sand.u32 $0xFFFE0000, s30;
	s28 =	sand.u32 $0x380, s28  }
0x40: {  	s28 =	sor.u32 s28, s30  }
0x41: {  	s28 =	sshrl.u32 s28, $0x3  }
0x42: {  	s28 =	sadd.s32 s2, s28  }
0x43: {  	[tilespmem:s18], [sflag:$0x1] =	stream.strided.gather [hbm4b:s28+s6], $0x4000, s7, s6, $0x38;
	[tilespmem:$0x1A100] =	vst v63  }
0x44: {  	v59 =	vld [tilespmem:s3+$0x1];
	_ =	sdelay $0x4  }
0x45: {  	v0 =	vnsel vm0, $0x0, v59  }
0x46: {  	(xrf0) =	vadd.scan.msk.s32 $0xffff, v0;
	_ =	sdelay $0x5  }
0x47: {  	v0, _, _ =	vpop (xrf0)  }
0x48: {  	(v2sf) =	vpush v0, $0xF;
	_ =	sdelay $0xe  }
0x49: {  	s28 =	spop (v2sf)  }
0x4a: {  	s30 =	sshll.u32 s28, $0xE;
	s28 =	sshll.u32 s28, $0x7  }
0x4b: {  	s30 =	sand.u32 $0xFFFE0000, s30;
	s28 =	sand.u32 $0x380, s28  }
0x4c: {  	s28 =	sor.u32 s28, s30  }
0x4d: {  	s28 =	sshrl.u32 s28, $0x3  }
0x4e: {  	s28 =	sadd.s32 s2, s28  }
0x4f: {  	[tilespmem:s16], [sflag:$0x2] =	stream.strided.gather [hbm4b:s28+s6], $0x4000, s7, s6, $0x38;
	[tilespmem:$0x1A100] =	vst v63  }
0x50: {  	v60 =	vld [tilespmem:s3+$0x2];
	_ =	sdelay $0x4  }
0x51: {  	v0 =	vnsel vm0, $0x0, v60  }
0x52: {  	(xrf0) =	vadd.scan.msk.s32 $0xffff, v0;
	_ =	sdelay $0x5  }
0x53: {  	v0, _, _ =	vpop (xrf0)  }
0x54: {  	(v2sf) =	vpush v0, $0xF;
	_ =	sdelay $0xe  }
0x55: {  	s28 =	spop (v2sf)  }
0x56: {  	s30 =	sshll.u32 s28, $0xE;
	s28 =	sshll.u32 s28, $0x7  }
0x57: {  	s30 =	sand.u32 $0xFFFE0000, s30;
	s28 =	sand.u32 $0x380, s28  }
0x58: {  	s28 =	sor.u32 s28, s30  }
0x59: {  	s28 =	sshrl.u32 s28, $0x3  }
0x5a: {  	s28 =	sadd.s32 s2, s28  }
0x5b: {  	[tilespmem:s13], [sflag:$0x3] =	stream.strided.gather [hbm4b:s28+s6], $0x4000, s7, s6, $0x38;
	[tilespmem:$0x1A100] =	vst v63  }
0x5c: {  	v61 =	vld [tilespmem:s3+$0x3];
	_ =	sdelay $0x4  }
0x5d: {  	v0 =	vnsel vm0, $0x0, v61  }
0x5e: {  	(xrf0) =	vadd.scan.msk.s32 $0xffff, v0;
	_ =	sdelay $0x5  }
0x5f: {  	v0, _, _ =	vpop (xrf0)  }
0x60: {  	(v2sf) =	vpush v0, $0xF;
	_ =	sdelay $0xe  }
0x61: {  	s28 =	spop (v2sf)  }
0x62: {  	s30 =	sshll.u32 s28, $0xE;
	s28 =	sshll.u32 s28, $0x7  }
0x63: {  	s30 =	sand.u32 $0xFFFE0000, s30;
	s28 =	sand.u32 $0x380, s28  }
0x64: {  	s28 =	sor.u32 s28, s30  }
0x65: {  	s28 =	sshrl.u32 s28, $0x3  }
0x66: {  	s28 =	sadd.s32 s2, s28  }
0x67: {  	[tilespmem:s11], [sflag:$0x4] =	stream.strided.gather [hbm4b:s28+s6], $0x4000, s7, s6, $0x38;
	[tilespmem:$0x1A100] =	vst v63  }
0x68: {  	v62 =	vld [tilespmem:s3+$0x4];
	_ =	sdelay $0x4  }
0x69: {  	v0 =	vnsel vm0, $0x0, v62  }
0x6a: {  	(xrf0) =	vadd.scan.msk.s32 $0xffff, v0;
	_ =	sdelay $0x5  }
0x6b: {  	v0, _, _ =	vpop (xrf0)  }
0x6c: {  	(v2sf) =	vpush v0, $0xF;
	_ =	sdelay $0xe  }
0x6d: {  	s28 =	spop (v2sf)  }
0x6e: {  	s30 =	sshll.u32 s28, $0xE;
	s28 =	sshll.u32 s28, $0x7  }
0x6f: {  	s30 =	sand.u32 $0xFFFE0000, s30;
	s28 =	sand.u32 $0x380, s28  }
0x70: {  	s28 =	sor.u32 s28, s30  }
0x71: {  	s28 =	sshrl.u32 s28, $0x3  }
0x72: {  	s28 =	sadd.s32 s2, s28  }
0x73: {  	[tilespmem:s9], [sflag:$0x5] =	stream.strided.gather [hbm4b:s28+s6], $0x4000, s7, s6, $0x38;
	[tilespmem:$0x1A100] =	vst v63  }
0x74: {  	v63 =	vld [tilespmem:s3+$0x5];
	_ =	sdelay $0x4  }
0x75: {  	v0 =	vnsel vm0, $0x0, v63  }
0x76: {  	(xrf0) =	vadd.scan.msk.s32 $0xffff, v0;
	_ =	sdelay $0x5  }
0x77: {  	v0, _, _ =	vpop (xrf0)  }
0x78: {  	(v2sf) =	vpush v0, $0xF;
	_ =	sdelay $0xe  }
0x79: {  	s28 =	spop (v2sf)  }
0x7a: {  	s30 =	sshll.u32 s28, $0xE;
	s28 =	sshll.u32 s28, $0x7  }
0x7b: {  	s30 =	sand.u32 $0xFFFE0000, s30;
	s28 =	sand.u32 $0x380, s28  }
0x7c: {  	s28 =	sor.u32 s28, s30  }
0x7d: {  	s28 =	sshrl.u32 s28, $0x3  }
0x7e: {  	s28 =	sadd.s32 s2, s28  }
0x7f: {  	[tilespmem:s8], [sflag:$0x6] =	stream.strided.gather [hbm4b:s28+s6], $0x4000, s7, s6, $0x38;
	[tilespmem:$0x1A100] =	vst v63  }
0x80: {  	_ =	swait.ge [sflag:s14], $0x4000  }
0x81: {  	[sflag:s14] =	ssyncset.done $0x0  }
0x82: {  	[sflag:s14] =	ssyncadd.s32 $0xFFFFC000  }
0x83: {  	[hbm4b:s4+s6] =	stream.strided.scatter [tilespmem:s18], [sflag:$0x8], $0x4000, s7, s6, $0x38;
	[tilespmem:$0x1A100] =	vst v63  }
0x84: {  	_ =	swait.ge [sflag:s19], $0x4000  }
0x85: {  	[sflag:s19] =	ssyncset.done $0x0  }
0x86: {  	s28 =	rddreg [dreg:$0x5];
	[sflag:s19] =	ssyncadd.s32 $0xFFFFC000  }
0x87: {  	[hbm4b:s28+s6] =	stream.strided.scatter [tilespmem:s16], [sflag:$0x8], $0x4000, s7, s6, $0x38;
	[tilespmem:$0x1A100] =	vst v63  }
0x88: {  	_ =	swait.ge [sflag:s17], $0x4000  }
0x89: {  	[sflag:s17] =	ssyncset.done $0x0  }
0x8a: {  	s28 =	rddreg [dreg:$0x6];
	[sflag:s17] =	ssyncadd.s32 $0xFFFFC000  }
0x8b: {  	[hbm4b:s28+s6] =	stream.strided.scatter [tilespmem:s13], [sflag:$0x8], $0x4000, s7, s6, $0x38;
	[tilespmem:$0x1A100] =	vst v63  }
0x8c: {  	_ =	swait.ge [sflag:s15], $0x4000  }
0x8d: {  	[sflag:s15] =	ssyncset.done $0x0  }
0x8e: {  	s28 =	rddreg [dreg:$0x7];
	[sflag:s15] =	ssyncadd.s32 $0xFFFFC000  }
0x8f: {  	[hbm4b:s28+s6] =	stream.strided.scatter [tilespmem:s11], [sflag:$0x8], $0x4000, s7, s6, $0x38;
	[tilespmem:$0x1A100] =	vst v63  }
0x90: {  	_ =	swait.ge [sflag:s12], $0x4000  }
0x91: {  	[sflag:s12] =	ssyncset.done $0x0  }
0x92: {  	s28 =	rddreg [dreg:$0x8];
	[sflag:s12] =	ssyncadd.s32 $0xFFFFC000  }
0x93: {  	[hbm4b:s28+s6] =	stream.strided.scatter [tilespmem:s9], [sflag:$0x8], $0x4000, s7, s6, $0x38;
	[tilespmem:$0x1A100] =	vst v63  }
0x94: {  	_ =	swait.ge [sflag:s10], $0x4000  }
0x95: {  	[sflag:s10] =	ssyncset.done $0x0  }
0x96: {  	s28 =	simm.s32 @!p0 $0x7;
	s30 =	rddreg [dreg:$0x9];
	[sflag:s10] =	ssyncadd.s32 $0xFFFFC000  }
0x97: {  	[hbm4b:s30+s6] =	stream.strided.scatter [tilespmem:s8], [sflag:$0x8], $0x4000, s7, s6, $0x38;
	[tilespmem:$0x1A100] =	vst v63  }
0x98: {  	_ =	swait.ge @!p0 [sflag:s28], $0x2000  }
0x99: {  	[sflag:s28] =	ssyncset.done @!p0 $0x0  }
0x9a: {  	s30 =	rddreg [dreg:$0xa];
	[sflag:s28] =	ssyncadd.s32 @!p0 $0xFFFFE000  }
0x9b: {  	[hbm4b:s30+s25] =	stream.strided.scatter @!p0 [tilespmem:s24], [sflag:$0x8], $0x2000, s26, s25, $0x38;
	[tilespmem:$0x1A100] =	vst v63  }
0x9c: {  	_ =	swait.ge [sflag:s5], $0x4000  }
0x9d: {  	[sflag:s5] =	ssyncset.done $0x0  }
0x9e: {  	[sflag:s5] =	ssyncadd.s32 $0xFFFFC000  }
0x9f: {  	_ =	swait.ge [sflag:s5], $0x4000  }
0xa0: {  	[sflag:s5] =	ssyncset.done $0x0  }
0xa1: {  	[sflag:s5] =	ssyncadd.s32 $0xFFFFC000  }
0xa2: {  	_ =	swait.ge [sflag:s5], $0x4000  }
0xa3: {  	[sflag:s5] =	ssyncset.done $0x0  }
0xa4: {  	[sflag:s5] =	ssyncadd.s32 $0xFFFFC000  }
0xa5: {  	_ =	swait.ge [sflag:s5], $0x4000  }
0xa6: {  	[sflag:s5] =	ssyncset.done $0x0  }
0xa7: {  	[sflag:s5] =	ssyncadd.s32 $0xFFFFC000  }
0xa8: {  	_ =	swait.ge [sflag:s5], $0x4000  }
0xa9: {  	s30 =	sadd.s32 $0xFFFFFFFF, s29;
	[sflag:s5] =	ssyncset.done $0x0  }
0xaa: {  	p2 =	sne.s32 s30, $0x0;
	[sflag:s5] =	ssyncadd.s32 $0xFFFFC000  }
.Ltmp1:
0xab: {  	_ =	swait.ge [sflag:s5], $0x4000;
	(pc) =	sbr.rel @!p2 .LBB2_3-.Ltmp1, $4  }
0xac: {  	[sflag:s5] =	ssyncset.done $0x0  }
0xad: {  	s29 =	simm.s32 @!p0 $0x8;
	[sflag:s5] =	ssyncadd.s32 $0xFFFFC000  }
0xae: {  	_ =	swait.ge @!p0 [sflag:s29], $0x2000  }
0xaf: {  	p1 =	por $0x1, $0x1;
	s31 =	rddreg [dreg:$0x4];
	[sflag:s29] =	ssyncset.done @!p0 $0x0  }
.LBB2_4:
0xb0: {  	[sflag:s29] =	ssyncadd.s32 @!p0 $0xFFFFE000  }
0xb1: {  	[tilespmem:s20], [sflag:$0x9] =	stream.linear.gather [hbm4b:s31+s20], $0xC8, $0x38;
	[tilespmem:$0x1A100] =	vst v63  }
0xb2: {  	_ =	swait.ge [sflag:s23], $0xC8  }
0xb3: {  	[sflag:s23] =	ssyncset.done $0x0  }
0xb4: {  	[sflag:s23] =	ssyncadd.s32 $0xFFFFFF38  }
0xb5: {  	v0 =	vld @!p0 [tilespmem:s22+$0xC0];
	_ =	sdelay $0x4  }
0xb6: {  	v0 =	vnsel @!p0 vm1, $0x0, v0  }
0xb7: {  	(xrf0) =	vadd.scan.msk.s32 @!p0 $0xffff, v0;
	_ =	sdelay $0x5  }
0xb8: {  	v0, _, _ =	vpop @!p0 (xrf0)  }
0xb9: {  	(v2sf) =	vpush @!p0 v0, $0xF;
	_ =	sdelay $0xe  }
0xba: {  	s31 =	spop @!p0 (v2sf)  }
0xbb: {  	s1 =	sshll.u32 @!p0 s31, $0xE  }
0xbc: {  	s31 =	sshll.u32 @!p0 s31, $0x7;
	s1 =	sand.u32 @!p0 $0xFFFE0000, s1  }
0xbd: {  	s31 =	sand.u32 @!p0 $0x380, s31;
	s1 =	sadd.s32 @!p0 s21, s1  }
0xbe: {  	s1 =	sor.u32 @!p0 s31, s1  }
0xbf: {  	s1 =	sshrl.u32 @!p0 s1, $0x3  }
0xc0: {  	s1 =	sadd.s32 @!p0 s2, s1  }
0xc1: {  	[tilespmem:s24], [sflag:$0x7] =	stream.strided.gather @!p0 [hbm4b:s1+s25], $0x2000, s26, s25, $0x38;
	[tilespmem:$0x1A100] =	vst v63  }
0xc2: {  	v58 =	vld [tilespmem:s3+$0x0];
	_ =	sdelay $0x4  }
0xc3: {  	v0 =	vnsel vm0, $0x0, v58  }
0xc4: {  	(xrf0) =	vadd.scan.msk.s32 $0xffff, v0;
	_ =	sdelay $0x5  }
0xc5: {  	v0, _, _ =	vpop (xrf0)  }
0xc6: {  	(v2sf) =	vpush v0, $0xF;
	_ =	sdelay $0xe  }
0xc7: {  	s1 =	spop (v2sf)  }
0xc8: {  	s31 =	sshll.u32 s1, $0xE;
	s1 =	sshll.u32 s1, $0x7  }
0xc9: {  	s31 =	sand.u32 $0xFFFE0000, s31;
	s1 =	sand.u32 $0x380, s1  }
0xca: {  	s1 =	sor.u32 s1, s31  }
0xcb: {  	s1 =	sshrl.u32 s1, $0x3  }
0xcc: {  	s1 =	sadd.s32 s2, s1  }
0xcd: {  	[tilespmem:s18], [sflag:$0x1] =	stream.strided.gather [hbm4b:s1+s6], $0x4000, s7, s6, $0x38;
	[tilespmem:$0x1A100] =	vst v63  }
0xce: {  	v59 =	vld [tilespmem:s3+$0x1];
	_ =	sdelay $0x4  }
0xcf: {  	v0 =	vnsel vm0, $0x0, v59  }
0xd0: {  	(xrf0) =	vadd.scan.msk.s32 $0xffff, v0;
	_ =	sdelay $0x5  }
0xd1: {  	v0, _, _ =	vpop (xrf0)  }
0xd2: {  	(v2sf) =	vpush v0, $0xF;
	_ =	sdelay $0xe  }
0xd3: {  	s1 =	spop (v2sf)  }
0xd4: {  	s31 =	sshll.u32 s1, $0xE;
	s1 =	sshll.u32 s1, $0x7  }
0xd5: {  	s31 =	sand.u32 $0xFFFE0000, s31;
	s1 =	sand.u32 $0x380, s1  }
0xd6: {  	s1 =	sor.u32 s1, s31  }
0xd7: {  	s1 =	sshrl.u32 s1, $0x3  }
0xd8: {  	s1 =	sadd.s32 s2, s1  }
0xd9: {  	[tilespmem:s16], [sflag:$0x2] =	stream.strided.gather [hbm4b:s1+s6], $0x4000, s7, s6, $0x38;
	[tilespmem:$0x1A100] =	vst v63  }
0xda: {  	v60 =	vld [tilespmem:s3+$0x2];
	_ =	sdelay $0x4  }
0xdb: {  	v0 =	vnsel vm0, $0x0, v60  }
0xdc: {  	(xrf0) =	vadd.scan.msk.s32 $0xffff, v0;
	_ =	sdelay $0x5  }
0xdd: {  	v0, _, _ =	vpop (xrf0)  }
0xde: {  	(v2sf) =	vpush v0, $0xF;
	_ =	sdelay $0xe  }
0xdf: {  	s1 =	spop (v2sf)  }
0xe0: {  	s31 =	sshll.u32 s1, $0xE;
	s1 =	sshll.u32 s1, $0x7  }
0xe1: {  	s31 =	sand.u32 $0xFFFE0000, s31;
	s1 =	sand.u32 $0x380, s1  }
0xe2: {  	s1 =	sor.u32 s1, s31  }
0xe3: {  	s1 =	sshrl.u32 s1, $0x3  }
0xe4: {  	s1 =	sadd.s32 s2, s1  }
0xe5: {  	[tilespmem:s13], [sflag:$0x3] =	stream.strided.gather [hbm4b:s1+s6], $0x4000, s7, s6, $0x38;
	[tilespmem:$0x1A100] =	vst v63  }
0xe6: {  	v61 =	vld [tilespmem:s3+$0x3];
	_ =	sdelay $0x4  }
0xe7: {  	v0 =	vnsel vm0, $0x0, v61  }
0xe8: {  	(xrf0) =	vadd.scan.msk.s32 $0xffff, v0;
	_ =	sdelay $0x5  }
0xe9: {  	v0, _, _ =	vpop (xrf0)  }
0xea: {  	(v2sf) =	vpush v0, $0xF;
	_ =	sdelay $0xe  }
0xeb: {  	s1 =	spop (v2sf)  }
0xec: {  	s31 =	sshll.u32 s1, $0xE;
	s1 =	sshll.u32 s1, $0x7  }
0xed: {  	s31 =	sand.u32 $0xFFFE0000, s31;
	s1 =	sand.u32 $0x380, s1  }
0xee: {  	s1 =	sor.u32 s1, s31  }
0xef: {  	s1 =	sshrl.u32 s1, $0x3  }
0xf0: {  	s1 =	sadd.s32 s2, s1  }
0xf1: {  	[tilespmem:s11], [sflag:$0x4] =	stream.strided.gather [hbm4b:s1+s6], $0x4000, s7, s6, $0x38;
	[tilespmem:$0x1A100] =	vst v63  }
0xf2: {  	v62 =	vld [tilespmem:s3+$0x4];
	_ =	sdelay $0x4  }
0xf3: {  	v0 =	vnsel vm0, $0x0, v62  }
0xf4: {  	(xrf0) =	vadd.scan.msk.s32 $0xffff, v0;
	_ =	sdelay $0x5  }
0xf5: {  	v0, _, _ =	vpop (xrf0)  }
0xf6: {  	(v2sf) =	vpush v0, $0xF;
	_ =	sdelay $0xe  }
0xf7: {  	s1 =	spop (v2sf)  }
0xf8: {  	s31 =	sshll.u32 s1, $0xE;
	s1 =	sshll.u32 s1, $0x7  }
0xf9: {  	s31 =	sand.u32 $0xFFFE0000, s31;
	s1 =	sand.u32 $0x380, s1  }
0xfa: {  	s1 =	sor.u32 s1, s31  }
0xfb: {  	s1 =	sshrl.u32 s1, $0x3  }
0xfc: {  	s1 =	sadd.s32 s2, s1  }
0xfd: {  	[tilespmem:s9], [sflag:$0x5] =	stream.strided.gather [hbm4b:s1+s6], $0x4000, s7, s6, $0x38;
	[tilespmem:$0x1A100] =	vst v63  }
0xfe: {  	v63 =	vld [tilespmem:s3+$0x5];
	_ =	sdelay $0x4  }
0xff: {  	v0 =	vnsel vm0, $0x0, v63  }
0x100: {  	(xrf0) =	vadd.scan.msk.s32 $0xffff, v0;
	_ =	sdelay $0x5  }
0x101: {  	v0, _, _ =	vpop (xrf0)  }
0x102: {  	(v2sf) =	vpush v0, $0xF;
	_ =	sdelay $0xe  }
0x103: {  	s1 =	spop (v2sf)  }
0x104: {  	s31 =	sshll.u32 s1, $0xE;
	s1 =	sshll.u32 s1, $0x7  }
0x105: {  	s31 =	sand.u32 $0xFFFE0000, s31;
	s1 =	sand.u32 $0x380, s1  }
0x106: {  	s1 =	sor.u32 s1, s31  }
0x107: {  	s1 =	sshrl.u32 s1, $0x3  }
0x108: {  	s1 =	sadd.s32 s2, s1  }
0x109: {  	[tilespmem:s8], [sflag:$0x6] =	stream.strided.gather [hbm4b:s1+s6], $0x4000, s7, s6, $0x38;
	[tilespmem:$0x1A100] =	vst v63  }
0x10a: {  	_ =	swait.ge [sflag:s14], $0x4000  }
0x10b: {  	[sflag:s14] =	ssyncset.done $0x0  }
0x10c: {  	[sflag:s14] =	ssyncadd.s32 $0xFFFFC000  }
0x10d: {  	[hbm4b:s4+s6] =	stream.strided.scatter [tilespmem:s18], [sflag:$0x8], $0x4000, s7, s6, $0x38;
	[tilespmem:$0x1A100] =	vst v63  }
0x10e: {  	_ =	swait.ge [sflag:s19], $0x4000  }
0x10f: {  	[sflag:s19] =	ssyncset.done $0x0  }
0x110: {  	s1 =	rddreg [dreg:$0x5];
	[sflag:s19] =	ssyncadd.s32 $0xFFFFC000  }
0x111: {  	[hbm4b:s1+s6] =	stream.strided.scatter [tilespmem:s16], [sflag:$0x8], $0x4000, s7, s6, $0x38;
	[tilespmem:$0x1A100] =	vst v63  }
0x112: {  	_ =	swait.ge [sflag:s17], $0x4000  }
0x113: {  	[sflag:s17] =	ssyncset.done $0x0  }
0x114: {  	s1 =	rddreg [dreg:$0x6];
	[sflag:s17] =	ssyncadd.s32 $0xFFFFC000  }
0x115: {  	[hbm4b:s1+s6] =	stream.strided.scatter [tilespmem:s13], [sflag:$0x8], $0x4000, s7, s6, $0x38;
	[tilespmem:$0x1A100] =	vst v63  }
0x116: {  	_ =	swait.ge [sflag:s15], $0x4000  }
0x117: {  	[sflag:s15] =	ssyncset.done $0x0  }
0x118: {  	s1 =	rddreg [dreg:$0x7];
	[sflag:s15] =	ssyncadd.s32 $0xFFFFC000  }
0x119: {  	[hbm4b:s1+s6] =	stream.strided.scatter [tilespmem:s11], [sflag:$0x8], $0x4000, s7, s6, $0x38;
	[tilespmem:$0x1A100] =	vst v63  }
0x11a: {  	_ =	swait.ge [sflag:s12], $0x4000  }
0x11b: {  	[sflag:s12] =	ssyncset.done $0x0  }
0x11c: {  	s1 =	rddreg [dreg:$0x8];
	[sflag:s12] =	ssyncadd.s32 $0xFFFFC000  }
0x11d: {  	[hbm4b:s1+s6] =	stream.strided.scatter [tilespmem:s9], [sflag:$0x8], $0x4000, s7, s6, $0x38;
	[tilespmem:$0x1A100] =	vst v63  }
0x11e: {  	_ =	swait.ge [sflag:s10], $0x4000  }
0x11f: {  	[sflag:s10] =	ssyncset.done $0x0  }
0x120: {  	s1 =	rddreg [dreg:$0x9];
	[sflag:s10] =	ssyncadd.s32 $0xFFFFC000  }
0x121: {  	[hbm4b:s1+s6] =	stream.strided.scatter [tilespmem:s8], [sflag:$0x8], $0x4000, s7, s6, $0x38;
	[tilespmem:$0x1A100] =	vst v63  }
0x122: {  	_ =	swait.ge @!p0 [sflag:s28], $0x2000  }
0x123: {  	[sflag:s28] =	ssyncset.done @!p0 $0x0  }
0x124: {  	s1 =	rddreg [dreg:$0xa];
	[sflag:s28] =	ssyncadd.s32 @!p0 $0xFFFFE000  }
0x125: {  	[hbm4b:s1+s25] =	stream.strided.scatter @!p0 [tilespmem:s24], [sflag:$0x8], $0x2000, s26, s25, $0x38;
	[tilespmem:$0x1A100] =	vst v63  }
0x126: {  	_ =	swait.ge [sflag:s5], $0x4000  }
0x127: {  	[sflag:s5] =	ssyncset.done $0x0  }
0x128: {  	[sflag:s5] =	ssyncadd.s32 $0xFFFFC000  }
0x129: {  	_ =	swait.ge [sflag:s5], $0x4000  }
0x12a: {  	[sflag:s5] =	ssyncset.done $0x0  }
0x12b: {  	[sflag:s5] =	ssyncadd.s32 $0xFFFFC000  }
0x12c: {  	_ =	swait.ge [sflag:s5], $0x4000  }
0x12d: {  	[sflag:s5] =	ssyncset.done $0x0  }
0x12e: {  	[sflag:s5] =	ssyncadd.s32 $0xFFFFC000  }
0x12f: {  	_ =	swait.ge [sflag:s5], $0x4000  }
0x130: {  	[sflag:s5] =	ssyncset.done $0x0  }
0x131: {  	[sflag:s5] =	ssyncadd.s32 $0xFFFFC000  }
0x132: {  	_ =	swait.ge [sflag:s5], $0x4000  }
0x133: {  	s30 =	sadd.s32 $0xFFFFFFFF, s30;
	[sflag:s5] =	ssyncset.done $0x0  }
0x134: {  	p2 =	sne.s32 s30, $0x0;
	[sflag:s5] =	ssyncadd.s32 $0xFFFFC000  }
.Ltmp2:
0x135: {  	_ =	swait.ge [sflag:s5], $0x4000;
	(pc) =	sbr.rel @p2 .LBB2_4-.Ltmp2, $4  }
0x136: {  	[sflag:s5] =	ssyncset.done $0x0  }
0x137: {  	[sflag:s5] =	ssyncadd.s32 $0xFFFFC000  }
0x138: {  	_ =	swait.ge @!p0 [sflag:s29], $0x2000  }
0x139: {  	s31 =	rddreg [dreg:$0x4];
	[sflag:s29] =	ssyncset.done @!p0 $0x0  }
0x13a: {  	s24 =	rddreg [dreg:$0x3]  }
.LBB2_6:
0x13b: {  	p1 =	por p0, !p1  }
0x13c: {  	[sflag:s29] =	ssyncadd.s32 @!p1 $0xFFFFE000  }
0x13d: {  	[tilespmem:s20], [sflag:$0x9] =	stream.linear.gather [hbm4b:s31+s20], $0xC8, $0x38;
	[tilespmem:$0x1A100] =	vst v63  }
0x13e: {  	_ =	swait.ge [sflag:s23], $0xC8  }
0x13f: {  	[sflag:s23] =	ssyncset.done $0x0  }
0x140: {  	[sflag:s23] =	ssyncadd.s32 $0xFFFFFF38  }
0x141: {  	v0 =	vld @!p0 [tilespmem:s22+$0xC0];
	_ =	sdelay $0x4  }
0x142: {  	v0 =	vnsel @!p0 vm1, $0x0, v0  }
0x143: {  	(xrf0) =	vadd.scan.msk.s32 @!p0 $0xffff, v0;
	_ =	sdelay $0x5  }
0x144: {  	v0, _, _ =	vpop @!p0 (xrf0)  }
0x145: {  	(v2sf) =	vpush @!p0 v0, $0xF;
	_ =	sdelay $0xe  }
0x146: {  	s1 =	spop @!p0 (v2sf)  }
0x147: {  	s20 =	sshll.u32 @!p0 s1, $0xE  }
0x148: {  	s1 =	sshll.u32 @!p0 s1, $0x7;
	s20 =	sand.u32 @!p0 $0xFFFE0000, s20  }
0x149: {  	s1 =	sand.u32 @!p0 $0x380, s1;
	s20 =	sadd.s32 @!p0 s21, s20  }
0x14a: {  	s1 =	sor.u32 @!p0 s1, s20  }
0x14b: {  	s22 =	simm.s32 @!p0 $0x400;
	s1 =	sshrl.u32 @!p0 s1, $0x3  }
0x14c: {  	s21 =	simm.s32 @!p0 $0x80;
	s20 =	simm.s32 @!p0 $0x18100;
	s1 =	sadd.s32 @!p0 s2, s1  }
0x14d: {  	[tilespmem:s20], [sflag:$0x7] =	stream.strided.gather @!p0 [hbm4b:s1+s21], $0x2000, s22, s21, $0x38;
	[tilespmem:$0x1A100] =	vst v63  }
0x14e: {  	v58 =	vld [tilespmem:s3+$0x0];
	_ =	sdelay $0x4  }
0x14f: {  	v0 =	vnsel vm0, $0x0, v58  }
0x150: {  	(xrf0) =	vadd.scan.msk.s32 $0xffff, v0;
	_ =	sdelay $0x5  }
0x151: {  	v0, _, _ =	vpop (xrf0)  }
0x152: {  	(v2sf) =	vpush v0, $0xF;
	_ =	sdelay $0xe  }
0x153: {  	s28 =	spop (v2sf)  }
0x154: {  	s29 =	sshll.u32 s28, $0xE;
	s1 =	sshll.u32 s28, $0x7  }
0x155: {  	s23 =	sand.u32 $0xFFFE0000, s29;
	s1 =	sand.u32 $0x380, s1  }
0x156: {  	s1 =	sor.u32 s1, s23  }
0x157: {  	s1 =	sshrl.u32 s1, $0x3  }
0x158: {  	s1 =	sadd.s32 s2, s1  }
0x159: {  	[tilespmem:s18], [sflag:$0x1] =	stream.strided.gather [hbm4b:s1+s6], $0x4000, s7, s6, $0x38;
	[tilespmem:$0x1A100] =	vst v63  }
0x15a: {  	v59 =	vld [tilespmem:s3+$0x1];
	_ =	sdelay $0x4  }
0x15b: {  	v0 =	vnsel vm0, $0x0, v59  }
0x15c: {  	(xrf0) =	vadd.scan.msk.s32 $0xffff, v0;
	_ =	sdelay $0x5  }
0x15d: {  	v0, _, _ =	vpop (xrf0)  }
0x15e: {  	(v2sf) =	vpush v0, $0xF;
	_ =	sdelay $0xe  }
0x15f: {  	s30 =	spop (v2sf)  }
0x160: {  	s31 =	sshll.u32 s30, $0xE;
	s1 =	sshll.u32 s30, $0x7  }
0x161: {  	s23 =	sand.u32 $0xFFFE0000, s31;
	s1 =	sand.u32 $0x380, s1  }
0x162: {  	s1 =	sor.u32 s1, s23  }
0x163: {  	s1 =	sshrl.u32 s1, $0x3  }
0x164: {  	s1 =	sadd.s32 s2, s1  }
0x165: {  	[tilespmem:s16], [sflag:$0x2] =	stream.strided.gather [hbm4b:s1+s6], $0x4000, s7, s6, $0x38;
	[tilespmem:$0x1A100] =	vst v63  }
0x166: {  	v60 =	vld [tilespmem:s3+$0x2];
	_ =	sdelay $0x4  }
0x167: {  	v0 =	vnsel vm0, $0x0, v60  }
0x168: {  	(xrf0) =	vadd.scan.msk.s32 $0xffff, v0;
	_ =	sdelay $0x5  }
0x169: {  	v0, _, _ =	vpop (xrf0)  }
0x16a: {  	(v2sf) =	vpush v0, $0xF;
	_ =	sdelay $0xe  }
0x16b: {  	s25 =	spop (v2sf)  }
0x16c: {  	s26 =	sshll.u32 s25, $0xE;
	s1 =	sshll.u32 s25, $0x7  }
0x16d: {  	s23 =	sand.u32 $0xFFFE0000, s26;
	s1 =	sand.u32 $0x380, s1  }
0x16e: {  	s1 =	sor.u32 s1, s23  }
0x16f: {  	s1 =	sshrl.u32 s1, $0x3  }
0x170: {  	s1 =	sadd.s32 s2, s1  }
0x171: {  	[tilespmem:s13], [sflag:$0x3] =	stream.strided.gather [hbm4b:s1+s6], $0x4000, s7, s6, $0x38;
	[tilespmem:$0x1A100] =	vst v63  }
0x172: {  	v61 =	vld [tilespmem:s3+$0x3];
	_ =	sdelay $0x4  }
0x173: {  	v0 =	vnsel vm0, $0x0, v61  }
0x174: {  	(xrf0) =	vadd.scan.msk.s32 $0xffff, v0;
	_ =	sdelay $0x5  }
0x175: {  	v0, _, _ =	vpop (xrf0)  }
0x176: {  	(v2sf) =	vpush v0, $0xF;
	_ =	sdelay $0xe  }
0x177: {  	s28 =	spop (v2sf)  }
0x178: {  	s29 =	sshll.u32 s28, $0xE;
	s1 =	sshll.u32 s28, $0x7  }
0x179: {  	s23 =	sand.u32 $0xFFFE0000, s29;
	s1 =	sand.u32 $0x380, s1  }
0x17a: {  	s1 =	sor.u32 s1, s23  }
0x17b: {  	s1 =	sshrl.u32 s1, $0x3  }
0x17c: {  	s1 =	sadd.s32 s2, s1  }
0x17d: {  	[tilespmem:s11], [sflag:$0x4] =	stream.strided.gather [hbm4b:s1+s6], $0x4000, s7, s6, $0x38;
	[tilespmem:$0x1A100] =	vst v63  }
0x17e: {  	v62 =	vld [tilespmem:s3+$0x4];
	_ =	sdelay $0x4  }
0x17f: {  	v0 =	vnsel vm0, $0x0, v62  }
0x180: {  	(xrf0) =	vadd.scan.msk.s32 $0xffff, v0;
	_ =	sdelay $0x5  }
0x181: {  	v0, _, _ =	vpop (xrf0)  }
0x182: {  	(v2sf) =	vpush v0, $0xF;
	_ =	sdelay $0xe  }
0x183: {  	s30 =	spop (v2sf)  }
0x184: {  	s31 =	sshll.u32 s30, $0xE;
	s1 =	sshll.u32 s30, $0x7  }
0x185: {  	s23 =	sand.u32 $0xFFFE0000, s31;
	s1 =	sand.u32 $0x380, s1  }
0x186: {  	s1 =	sor.u32 s1, s23  }
0x187: {  	s1 =	sshrl.u32 s1, $0x3  }
0x188: {  	s1 =	sadd.s32 s2, s1  }
0x189: {  	[tilespmem:s9], [sflag:$0x5] =	stream.strided.gather [hbm4b:s1+s6], $0x4000, s7, s6, $0x38;
	[tilespmem:$0x1A100] =	vst v63  }
0x18a: {  	v63 =	vld [tilespmem:s3+$0x5];
	_ =	sdelay $0x4  }
0x18b: {  	v0 =	vnsel vm0, $0x0, v63  }
0x18c: {  	(xrf0) =	vadd.scan.msk.s32 $0xffff, v0;
	_ =	sdelay $0x5  }
0x18d: {  	v0, _, _ =	vpop (xrf0)  }
0x18e: {  	(v2sf) =	vpush v0, $0xF;
	_ =	sdelay $0xe  }
0x18f: {  	s23 =	spop (v2sf)  }
0x190: {  	s25 =	sshll.u32 s23, $0xE;
	s1 =	sshll.u32 s23, $0x7  }
0x191: {  	s3 =	sand.u32 $0xFFFE0000, s25;
	s1 =	sand.u32 $0x380, s1  }
0x192: {  	s1 =	sor.u32 s1, s3  }
0x193: {  	s1 =	sshrl.u32 s1, $0x3  }
0x194: {  	s1 =	sadd.s32 s2, s1  }
0x195: {  	[tilespmem:s8], [sflag:$0x6] =	stream.strided.gather [hbm4b:s1+s6], $0x4000, s7, s6, $0x38;
	[tilespmem:$0x1A100] =	vst v63  }
0x196: {  	_ =	swait.ge [sflag:s14], $0x4000  }
0x197: {  	[sflag:s14] =	ssyncset.done $0x0  }
0x198: {  	[sflag:s14] =	ssyncadd.s32 $0xFFFFC000  }
0x199: {  	[hbm4b:s4+s6] =	stream.strided.scatter [tilespmem:s18], [sflag:$0x8], $0x4000, s7, s6, $0x38;
	[tilespmem:$0x1A100] =	vst v63  }
0x19a: {  	_ =	swait.ge [sflag:s19], $0x4000  }
0x19b: {  	[sflag:s19] =	ssyncset.done $0x0  }
0x19c: {  	s26 =	rddreg [dreg:$0x5];
	[sflag:s19] =	ssyncadd.s32 $0xFFFFC000  }
0x19d: {  	[hbm4b:s26+s6] =	stream.strided.scatter [tilespmem:s16], [sflag:$0x8], $0x4000, s7, s6, $0x38;
	[tilespmem:$0x1A100] =	vst v63  }
0x19e: {  	_ =	swait.ge [sflag:s17], $0x4000  }
0x19f: {  	[sflag:s17] =	ssyncset.done $0x0  }
0x1a0: {  	s28 =	rddreg [dreg:$0x6];
	[sflag:s17] =	ssyncadd.s32 $0xFFFFC000  }
0x1a1: {  	[hbm4b:s28+s6] =	stream.strided.scatter [tilespmem:s13], [sflag:$0x8], $0x4000, s7, s6, $0x38;
	[tilespmem:$0x1A100] =	vst v63  }
0x1a2: {  	_ =	swait.ge [sflag:s15], $0x4000  }
0x1a3: {  	[sflag:s15] =	ssyncset.done $0x0  }
0x1a4: {  	s29 =	rddreg [dreg:$0x7];
	[sflag:s15] =	ssyncadd.s32 $0xFFFFC000  }
0x1a5: {  	[hbm4b:s29+s6] =	stream.strided.scatter [tilespmem:s11], [sflag:$0x8], $0x4000, s7, s6, $0x38;
	[tilespmem:$0x1A100] =	vst v63  }
0x1a6: {  	_ =	swait.ge [sflag:s12], $0x4000  }
0x1a7: {  	[sflag:s12] =	ssyncset.done $0x0  }
0x1a8: {  	s30 =	rddreg [dreg:$0x8];
	[sflag:s12] =	ssyncadd.s32 $0xFFFFC000  }
0x1a9: {  	[hbm4b:s30+s6] =	stream.strided.scatter [tilespmem:s9], [sflag:$0x8], $0x4000, s7, s6, $0x38;
	[tilespmem:$0x1A100] =	vst v63  }
0x1aa: {  	_ =	swait.ge [sflag:s10], $0x4000  }
0x1ab: {  	[sflag:s10] =	ssyncset.done $0x0  }
0x1ac: {  	s2 =	simm.s32 @!p0 $0x7;
	s31 =	rddreg [dreg:$0x9];
	[sflag:s10] =	ssyncadd.s32 $0xFFFFC000  }
0x1ad: {  	[hbm4b:s31+s6] =	stream.strided.scatter [tilespmem:s8], [sflag:$0x8], $0x4000, s7, s6, $0x38;
	[tilespmem:$0x1A100] =	vst v63  }
0x1ae: {  	_ =	swait.ge @!p0 [sflag:s2], $0x2000  }
0x1af: {  	[sflag:s2] =	ssyncset.done @!p0 $0x0  }
0x1b0: {  	s1 =	rddreg [dreg:$0xa];
	[sflag:s2] =	ssyncadd.s32 @!p0 $0xFFFFE000  }
0x1b1: {  	[hbm4b:s1+s21] =	stream.strided.scatter @!p0 [tilespmem:s20], [sflag:$0x8], $0x2000, s22, s21, $0x38;
	[tilespmem:$0x1A100] =	vst v63  }
0x1b2: {  	_ =	swait.ge [sflag:s5], $0x4000  }
0x1b3: {  	[sflag:s5] =	ssyncset.done $0x0  }
0x1b4: {  	[sflag:s5] =	ssyncadd.s32 $0xFFFFC000  }
0x1b5: {  	_ =	swait.ge [sflag:s5], $0x4000  }
0x1b6: {  	[sflag:s5] =	ssyncset.done $0x0  }
0x1b7: {  	[sflag:s5] =	ssyncadd.s32 $0xFFFFC000  }
0x1b8: {  	_ =	swait.ge [sflag:s5], $0x4000  }
0x1b9: {  	[sflag:s5] =	ssyncset.done $0x0  }
0x1ba: {  	[sflag:s5] =	ssyncadd.s32 $0xFFFFC000  }
0x1bb: {  	_ =	swait.ge [sflag:s5], $0x4000  }
0x1bc: {  	[sflag:s5] =	ssyncset.done $0x0  }
0x1bd: {  	[sflag:s5] =	ssyncadd.s32 $0xFFFFC000  }
0x1be: {  	_ =	swait.ge [sflag:s5], $0x4000  }
0x1bf: {  	[sflag:s5] =	ssyncset.done $0x0  }
0x1c0: {  	[sflag:s5] =	ssyncadd.s32 $0xFFFFC000  }
0x1c1: {  	_ =	swait.ge [sflag:s5], $0x4000  }
0x1c2: {  	[sflag:s5] =	ssyncset.done $0x0  }
0x1c3: {  	s1 =	simm.s32 @!p0 $0x8;
	[sflag:s5] =	ssyncadd.s32 $0xFFFFC000  }
0x1c4: {  	_ =	swait.ge @!p0 [sflag:s1], $0x2000  }
0x1c5: {  	[sflag:s1] =	ssyncset.done @!p0 $0x0  }
0x1c6: {  	[sflag:s1] =	ssyncadd.s32 @!p0 $0xFFFFE000  }
0x1c7: {  	_ =	sfence.sel $0x180000  }
0x1c8: {  	[bflag:$0x0] =	sbarrier.arrive $0xFFFF  }
0x1c9: {  	p0 =	sne.s32 s0, $0x0;
	_ =	strace $0x90000047  }
0x1ca: {  	s0 =	sadd.s32 @!p0 $0x100000, s24;
	[bflag:$0x2] =	sbarrier.arrive $0xFFFF  }
0x1cb: {  	[sflag:s0] =	ssyncadd.tile.s32 @!p0 $0x1;
	_ =	shalt  }
.LBB2_1:
.Ltmp3:
0x1cc: {  	(pc) =	sbr.rel .LBB2_6-.Ltmp3, $2  }
0x1cd: {  	_ =	sdelay $0x2  }
0x1ce: {  	_ = 	snop  }
.LBB2_3:
.Ltmp4:
0x1cf: {  	(pc) =	sbr.rel .LBB2_6-.Ltmp4, $2  }
0x1d0: {  	_ =	sdelay $0x2  }
0x1d1: {  	s24 =	rddreg [dreg:$0x3]  }
.Lfunc_end2:
_tile_overlayer_lowered:
.L_overlay_start_2:
0x1d2: {  	(tag) =	ssettag $0x2  }
0x1d3: {  	s0 =	rddreg [dreg:$0x0];
	s2 =	stileid.u32  }
0x1d4: {  	s1 =	rddreg [dreg:$0x1];
	p0 =	sne.s32 s2, $0x0  }
0x1d5: {  	s3 =	rddreg [dreg:$0x2];
	[bflag:$0x3] =	sbarrier.arrive $0xFFFF;
	s2 =	simm.s32 @!p0 $0x1C09  }
0x1d6: {  	[timem:s3], [sflag:s2] =	dma.local @!p0 [hbm:s0], s1  }
0x1d7: {  	s0 =	simm.s32 @!p0 $0x9  }
0x1d8: {  	_ =	swait.ge @!p0 [sflag:s0], s1  }
0x1d9: {  	s1 =	ssub.s32 @!p0 $0x0, s1;
	[sflag:s0] =	ssyncset.done @!p0 $0x0  }
0x1da: {  	[sflag:s0] =	ssyncadd.s32 @!p0 s1  }
0x1db: {  	[bflag:$0x3] =	sbarrier.arrive $0xFFFF  }
0x1dc: {  	_ =	shalt  }

</sc_bundles>
